<compile_context>
chip_gen: v7x
topology: tpu7x:2x2x1
jax: 0.10.2.dev20260603
libtpu: 0.0.44.dev20260713+nightly
codegen_flags: <defaults>
</compile_context>

<pallas_src>
import functools

import jax
import jax.numpy as jnp
from jax import lax
from jax.experimental import pallas as pl
from jax.experimental.pallas import tpu as pltpu
from jax.experimental.pallas import tpu_sc as plsc

N, D = 32768, 1024
MBLK = 2048
NB = N // MBLK
NC, NS = 2, 16
NW = NC * NS
RW = N // NW
G = 16
NBUF = 4
NCH = RW // G

def _mask_body(x_ref, flags_ref, tails_ref, carry_ref):
    i = pl.program_id(0)

    @pl.when(i == 0)
    def _():
        carry_ref[0] = 0

    z = x_ref[...] * 0.0
    s = jnp.dot(z, jnp.ones((D, 1), jnp.float32),
                preferred_element_type=jnp.float32)
    f = (s == 0.0).astype(jnp.int32)
    flags_ref[...] = f
    c0 = carry_ref[0]
    subs = [c0 + jnp.sum(f[: (j + 1) * RW]) for j in range(MBLK // RW)]
    tails_ref[...] = jnp.stack(subs).reshape(1, 1, MBLK // RW)
    carry_ref[0] = subs[-1]


_sc_mesh = plsc.VectorSubcoreMesh(core_axis_name="c", subcore_axis_name="s")


@functools.partial(
    pl.kernel,
    mesh=_sc_mesh,
    compiler_params=pltpu.CompilerParams(needs_layout_passes=False),
    out_type=jax.ShapeDtypeStruct((N, D), jnp.float32),
    scratch_types=[
        pltpu.VMEM((NW + 16,), jnp.int32),
        pltpu.VMEM((RW,), jnp.int32),
        pltpu.VMEM((RW,), jnp.int32),
        pltpu.VMEM((NBUF, G, D), jnp.float32),
        [pltpu.SemaphoreType.DMA] * NBUF,
        [pltpu.SemaphoreType.DMA] * NBUF,
        pltpu.SemaphoreType.DMA,
    ],
)
def _sc_filter_gather(x_hbm, flags_hbm, tails_hbm, out_hbm,
                      tails_v, fl_v, idxm_v, rows_v, gsems, wsems, sem2):
    wid = lax.axis_index("s") * NC + lax.axis_index("c")
    mylo = wid * RW
    myhi = mylo + RW
    iota16 = lax.iota(jnp.int32, 16)
    z16 = jnp.zeros((16,), jnp.int32)

    pltpu.async_copy(tails_hbm, tails_v.at[pl.ds(0, NW + 1)], sem2).wait()

    def zero_body(c, carry):
        idxm_v[pl.ds(pl.multiple_of(c * 16, 16), 16)] = z16
        return carry

    lax.fori_loop(0, RW // 16, zero_body, 0)

    def scan_cond(c):
        k, stop = c
        return jnp.logical_and(k < NW - wid, jnp.logical_not(stop))

    def scan_body(c):
        k, _ = c
        b = wid + k
        base = pl.multiple_of(b * RW, RW)
        pltpu.async_copy(flags_hbm.at[pl.ds(base, RW)], fl_v, sem2).wait()
        t16 = tails_v[pl.ds(b, 16)]

        def inner(c, carry):
            c16 = pl.multiple_of(c * 16, 16)
            f16 = fl_v[pl.ds(c16, 16)]
            p16 = plsc.cumsum(f16) + carry
            t = p16 - 1 - mylo
            m = jnp.logical_and(
                f16 > 0, jnp.logical_and(t >= 0, t < RW))
            vals = iota16 + (base + c16)
            plsc.store_scatter(idxm_v, [t], vals, mask=m)
            return p16[15]

        lax.fori_loop(0, RW // 16, inner, t16[0])
        return k + 1, t16[1] >= myhi

    lax.while_loop(scan_cond, scan_body, (0, False))

    def fire(c, b):
        co = pl.multiple_of(c * G, G)
        pltpu.async_copy(
            x_hbm.at[idxm_v.at[pl.ds(co, G)]], rows_v.at[b], gsems[b])

    fire(0, 0)
    fire(1, 1)

    def gloop(i, carry):
        for j in range(NBUF):
            c = i * NBUF + j
            pltpu.make_async_copy(
                x_hbm.at[pl.ds(0, G)], rows_v.at[j], gsems[j]).wait()
            pltpu.async_copy(
                rows_v.at[j],
                out_hbm.at[pl.ds(pl.multiple_of(mylo + c * G, G), G)],
                wsems[j])
            j2 = (j + 2) % NBUF

            @pl.when(c + 2 < NCH)
            def _():
                @pl.when(c >= 2)
                def _():
                    pltpu.make_async_copy(
                        rows_v.at[j2], out_hbm.at[pl.ds(mylo, G)],
                        wsems[j2]).wait()

                fire(c + 2, j2)

        return carry

    lax.fori_loop(0, NCH // NBUF, gloop, 0)

    for j in range(NBUF):
        pltpu.make_async_copy(
            rows_v.at[j], out_hbm.at[pl.ds(mylo, G)], wsems[j]).wait()


def kernel(x):
    flags2d, tails3d = pl.pallas_call(
        _mask_body,
        grid=(NB,),
        in_specs=[pl.BlockSpec((MBLK, D), lambda i: (i, 0))],
        out_specs=[pl.BlockSpec((MBLK, 1), lambda i: (i, 0)),
                   pl.BlockSpec((1, 1, MBLK // RW), lambda i: (i, 0, 0))],
        out_shape=[jax.ShapeDtypeStruct((N, 1), jnp.int32),
                   jax.ShapeDtypeStruct((NB, 1, MBLK // RW), jnp.int32)],
        scratch_shapes=[pltpu.SMEM((1,), jnp.int32)],
    )(x)
    flags = flags2d.reshape(N)
    tails_ex = jnp.concatenate(
        [jnp.zeros((1,), jnp.int32), tails3d.reshape(N // RW)])
    return _sc_filter_gather(x, flags, tails_ex)

# --- scband reference (transcript-rebuilt; emitter-appended) ---
"""Pipeline reference for scband-filter-inf-nnan-1726576854332 (READ-ONLY COPY).

The authoritative reference and input builder live on the scoring server;
editing this copy changes nothing except your own understanding.
"""

import jax, jax.numpy as jnp
import numpy as np


def setup_inputs(seed: int = 0) -> dict:
    key = jax.random.key(seed)
    x = jax.random.normal(key, (32768, 1024), dtype=jnp.float32)
    return {"x": x}


def reference(x):
    # FilterInfNNan with module = Identity:
    #   out = module(x) = x
    #   then filter_inf_n_nan: for 2D tensors keep rows where all entries are finite
    out = x
    mask = jnp.all(jnp.isfinite(out), axis=1)  # _2d_filter
    idx = jnp.where(mask, size=out.shape[0], fill_value=0)[0]
    filtered = jnp.take(out, idx, axis=0)
    return filtered

if __name__ == "__main__":
    import jax
    _d = setup_inputs()
    print(jax.jit(kernel)(*tuple(_d.values())))

</pallas_src>

<mosaic_0001>
#map = affine_map<(d0, d1) -> (0, 0)>
#map1 = affine_map<(d0, d1) -> (0)>
module attributes {stable_mosaic.version = 14 : i64} {
  func.func @_sc_filter_gather(%arg0: i32, %arg1: i32, %arg2: memref<32768x1024xf32, #tpu.memory_space<hbm>>, %arg3: memref<32768xi32, #tpu.memory_space<hbm>>, %arg4: memref<33xi32, #tpu.memory_space<hbm>>, %arg5: memref<32768x1024xf32, #tpu.memory_space<hbm>>, %arg6: memref<48xi32, #tpu.memory_space<vmem>>, %arg7: memref<1024xi32, #tpu.memory_space<vmem>>, %arg8: memref<1024xi32, #tpu.memory_space<vmem>>, %arg9: memref<4x16x1024xf32, #tpu.memory_space<vmem>>, %arg10: memref<!tpu.dma_semaphore, #tpu.memory_space<semaphore_mem>>, %arg11: memref<!tpu.dma_semaphore, #tpu.memory_space<semaphore_mem>>, %arg12: memref<!tpu.dma_semaphore, #tpu.memory_space<semaphore_mem>>, %arg13: memref<!tpu.dma_semaphore, #tpu.memory_space<semaphore_mem>>, %arg14: memref<!tpu.dma_semaphore, #tpu.memory_space<semaphore_mem>>, %arg15: memref<!tpu.dma_semaphore, #tpu.memory_space<semaphore_mem>>, %arg16: memref<!tpu.dma_semaphore, #tpu.memory_space<semaphore_mem>>, %arg17: memref<!tpu.dma_semaphore, #tpu.memory_space<semaphore_mem>>, %arg18: memref<!tpu.dma_semaphore, #tpu.memory_space<semaphore_mem>>) attributes {dimension_semantics = [#tpu.dimension_semantics<core_parallel>, #tpu.dimension_semantics<subcore_parallel>], iteration_bounds = array<i64: 2, 16>, scalar_prefetch = 0 : i64, scratch_operands = 13 : i64, tpu.core_type = #tpu.core_type<sc_vector_subcore>, window_params = [{transform_indices = #map}, {transform_indices = #map1}, {transform_indices = #map1}, {transform_indices = #map}]} {
    %mul3A = arith.constant 2 : i32
    %mul3A_0 = arith.muli %arg1, %mul3A : i32
    %add3A = arith.addi %mul3A_0, %arg0 : i32
    %mul3A_1 = arith.constant 1024 : i32
    %mul3A_2 = arith.muli %add3A, %mul3A_1 : i32
    %add3A_3 = arith.constant 1024 : i32
    %add3A_4 = arith.addi %mul3A_2, %add3A_3 : i32
    %iota3A = tpu.iota {dimensions = array<i32: 0>} : vector<16xi32>
    %broadcast_in_dim3A = arith.constant 0 : i32
    %broadcast_in_dim3A_5 = vector.broadcast %broadcast_in_dim3A : i32 to vector<16xi32>
    %dma_start3A = arith.constant 0 : i32
    %dma_start3A_6 = tpu.memref_slice %arg6[%dma_start3A] : memref<48xi32, #tpu.memory_space<vmem>> -> memref<33xi32, #tpu.memory_space<vmem>>
    %dma_start3A_7 = arith.constant 0 : i32
    %dma_start3A_8 = tpu.memref_slice %arg6[%dma_start3A_7] : memref<48xi32, #tpu.memory_space<vmem>> -> memref<33xi32, #tpu.memory_space<vmem>>
    tpu.enqueue_dma source(%arg4 : memref<33xi32, #tpu.memory_space<hbm>>) target(%dma_start3A_8 : memref<33xi32, #tpu.memory_space<vmem>>) target_semaphore(%arg18 : memref<!tpu.dma_semaphore, #tpu.memory_space<semaphore_mem>>)
    %dma_wait3A = arith.constant 0 : i32
    %dma_wait3A_9 = tpu.memref_slice %arg6[%dma_wait3A] : memref<48xi32, #tpu.memory_space<vmem>> -> memref<33xi32, #tpu.memory_space<vmem>>
    %dma_wait3A_10 = arith.constant 0 : i32
    %dma_wait3A_11 = tpu.memref_slice %arg6[%dma_wait3A_10] : memref<48xi32, #tpu.memory_space<vmem>> -> memref<33xi32, #tpu.memory_space<vmem>>
    tpu.wait_dma2 semaphore(%arg18 : memref<!tpu.dma_semaphore, #tpu.memory_space<semaphore_mem>>) src(%arg4 : memref<33xi32, #tpu.memory_space<hbm>>) dst(%dma_wait3A_11 : memref<33xi32, #tpu.memory_space<vmem>>)
    %scan3A = arith.constant 0 : i32
    %scan3A_12 = arith.constant 0 : i32
    %scan3A_13 = arith.constant 64 : i32
    %scan3A_14 = arith.addi %scan3A_12, %scan3A_13 : i32
    %scan3A_15 = arith.constant 1 : i32
    scf.for %scan3A_98 = %scan3A_12 to %scan3A_14 step %scan3A_15  : i32 {
      %mul3A_99 = arith.constant 16 : i32
      %mul3A_100 = arith.muli %scan3A_98, %mul3A_99 : i32
      %multiple_of3A_101 = tpu.assume_multiple %mul3A_100, 16 : i32
      %swap3A = arith.index_cast %multiple_of3A_101 : i32 to index
      %swap3A_102 = tpu.vector_load %arg8[%swap3A] {strides = array<i32>} : memref<1024xi32, #tpu.memory_space<vmem>>, vector<16xi32>,
      tpu.vector_store %arg8[%swap3A], %broadcast_in_dim3A_5 {strides = array<i32>} : memref<1024xi32, #tpu.memory_space<vmem>>, vector<16xi32>,
    }
    %scan3A_16 = arith.constant 64 : i32
    %while3A = arith.constant 0 : i32
    %while3A_17 = arith.constant false
    %while3A_18:2 = scf.while (%while3A_98 = %while3A, %while3A_99 = %while3A_17) : (i32, i1) -> (i32, i1) {
      %sub3A = arith.constant 32 : i32
      %sub3A_100 = arith.subi %sub3A, %add3A : i32
      %lt3A = arith.cmpi slt, %while3A_98, %sub3A_100 : i32
      %not3A = arith.constant true
      %not3A_101 = arith.xori %while3A_99, %not3A : i1
      %and3A = arith.andi %lt3A, %not3A_101 : i1
      scf.condition(%and3A) %while3A_98, %while3A_99 : i32, i1
    } do {
    ^bb0(%while3A_98: i32, %while3A_99: i1):
      %add3A_100 = arith.addi %add3A, %while3A_98 : i32
      %mul3A_101 = arith.constant 1024 : i32
      %mul3A_102 = arith.muli %add3A_100, %mul3A_101 : i32
      %multiple_of3A_103 = tpu.assume_multiple %mul3A_102, 1024 : i32
      %dma_start3A_104 = tpu.memref_slice %arg3[%multiple_of3A_103] : memref<32768xi32, #tpu.memory_space<hbm>> -> memref<1024xi32, #tpu.memory_space<hbm>>
      %dma_start3A_105 = tpu.memref_slice %arg3[%multiple_of3A_103] : memref<32768xi32, #tpu.memory_space<hbm>> -> memref<1024xi32, #tpu.memory_space<hbm>>
      tpu.enqueue_dma source(%dma_start3A_105 : memref<1024xi32, #tpu.memory_space<hbm>>) target(%arg7 : memref<1024xi32, #tpu.memory_space<vmem>>) target_semaphore(%arg18 : memref<!tpu.dma_semaphore, #tpu.memory_space<semaphore_mem>>)
      %dma_wait3A_106 = tpu.memref_slice %arg3[%multiple_of3A_103] : memref<32768xi32, #tpu.memory_space<hbm>> -> memref<1024xi32, #tpu.memory_space<hbm>>
      %dma_wait3A_107 = tpu.memref_slice %arg3[%multiple_of3A_103] : memref<32768xi32, #tpu.memory_space<hbm>> -> memref<1024xi32, #tpu.memory_space<hbm>>
      tpu.wait_dma2 semaphore(%arg18 : memref<!tpu.dma_semaphore, #tpu.memory_space<semaphore_mem>>) src(%dma_wait3A_107 : memref<1024xi32, #tpu.memory_space<hbm>>) dst(%arg7 : memref<1024xi32, #tpu.memory_space<vmem>>)
      %get3A = arith.index_cast %add3A_100 : i32 to index
      %get3A_108 = tpu.vector_load %arg6[%get3A] {strides = array<i32>} : memref<48xi32, #tpu.memory_space<vmem>>, vector<16xi32>,
      %slice3A = vector.extract_strided_slice %get3A_108 {offsets = [0], sizes = [1], strides = [1]} : vector<16xi32> to vector<1xi32>
      %squeeze3A = vector.extract %slice3A[0] : i32 from vector<1xi32>
      %scan3A_109 = arith.constant 0 : i32
      %scan3A_110 = arith.constant 64 : i32
      %scan3A_111 = arith.addi %scan3A_109, %scan3A_110 : i32
      %scan3A_112 = arith.constant 1 : i32
      %scan3A_113 = scf.for %scan3A_119 = %scan3A_109 to %scan3A_111 step %scan3A_112 iter_args(%scan3A_120 = %squeeze3A) -> (i32)  : i32 {
        %mul3A_121 = arith.constant 16 : i32
        %mul3A_122 = arith.muli %scan3A_119, %mul3A_121 : i32
        %multiple_of3A_123 = tpu.assume_multiple %mul3A_122, 16 : i32
        %get3A_124 = arith.index_cast %multiple_of3A_123 : i32 to index
        %get3A_125 = tpu.vector_load %arg7[%get3A_124] {strides = array<i32>} : memref<1024xi32, #tpu.memory_space<vmem>>, vector<16xi32>,
        %broadcast_in_dim3A_126 = arith.constant true
        %broadcast_in_dim3A_127 = vector.broadcast %broadcast_in_dim3A_126 : i1 to vector<16xi1>
        %masked_cumsum3A = tpu.scan <sum>, %get3A_125 masked %broadcast_in_dim3A_127 : vector<16xi32>, vector<16xi1> -> vector<16xi32>
        %add3A_128 = vector.broadcast %scan3A_120 : i32 to vector<16xi32>
        %add3A_129 = arith.addi %masked_cumsum3A, %add3A_128 : vector<16xi32>
        %sub3A = arith.constant 1 : i32
        %sub3A_130 = vector.broadcast %sub3A : i32 to vector<16xi32>
        %sub3A_131 = arith.subi %add3A_129, %sub3A_130 : vector<16xi32>
        %sub3A_132 = vector.broadcast %mul3A_2 : i32 to vector<16xi32>
        %sub3A_133 = arith.subi %sub3A_131, %sub3A_132 : vector<16xi32>
        %gt3A = arith.constant 0 : i32
        %gt3A_134 = vector.broadcast %gt3A : i32 to vector<16xi32>
        %gt3A_135 = arith.cmpi sgt, %get3A_125, %gt3A_134 : vector<16xi32>
        %ge3A_136 = arith.constant 0 : i32
        %ge3A_137 = vector.broadcast %ge3A_136 : i32 to vector<16xi32>
        %ge3A_138 = arith.cmpi sge, %sub3A_133, %ge3A_137 : vector<16xi32>
        %lt3A = arith.constant 1024 : i32
        %lt3A_139 = vector.broadcast %lt3A : i32 to vector<16xi32>
        %lt3A_140 = arith.cmpi slt, %sub3A_133, %lt3A_139 : vector<16xi32>
        %and3A = arith.andi %ge3A_138, %lt3A_140 : vector<16xi1>
        %and3A_141 = arith.andi %gt3A_135, %and3A : vector<16xi1>
        %add3A_142 = arith.addi %multiple_of3A_103, %multiple_of3A_123 : i32
        %add3A_143 = vector.broadcast %add3A_142 : i32 to vector<16xi32>
        %add3A_144 = arith.addi %iota3A, %add3A_143 : vector<16xi32>
        tpu.vector_store_idx %arg8[%sub3A_133], %add3A_144 masked %and3A_141 : memref<1024xi32, #tpu.memory_space<vmem>>[vector<16xi32>], vector<16xi32>, vector<16xi1>
        %slice3A_145 = vector.extract_strided_slice %add3A_129 {offsets = [15], sizes = [1], strides = [1]} : vector<16xi32> to vector<1xi32>
        %squeeze3A_146 = vector.extract %slice3A_145[0] : i32 from vector<1xi32>
        scf.yield %squeeze3A_146 : i32
      }
      %scan3A_114 = arith.constant 64 : i32
      %add3A_115 = arith.constant 1 : i32
      %add3A_116 = arith.addi %while3A_98, %add3A_115 : i32
      %slice3A_117 = vector.extract_strided_slice %get3A_108 {offsets = [1], sizes = [1], strides = [1]} : vector<16xi32> to vector<1xi32>
      %squeeze3A_118 = vector.extract %slice3A_117[0] : i32 from vector<1xi32>
      %ge3A = arith.cmpi sge, %squeeze3A_118, %add3A_4 : i32
      scf.yield %add3A_116, %ge3A : i32, i1
    }
    %multiple_of3A = arith.constant 0 : i32
    %multiple_of3A_19 = tpu.assume_multiple %multiple_of3A, 16 : i32
    %dma_start3A_20 = arith.constant 0 : i32
    %dma_start3A_21 = arith.constant 0 : i32
    %dma_start3A_22 = arith.constant 0 : i32
    %dma_start3A_23 = tpu.memref_slice %arg9[%dma_start3A_20, %dma_start3A_21, %dma_start3A_22] : memref<4x16x1024xf32, #tpu.memory_space<vmem>> -> memref<1x16x1024xf32, #tpu.memory_space<vmem>>
    %dma_start3A_24 = tpu.memref_squeeze %dma_start3A_23 : memref<1x16x1024xf32, #tpu.memory_space<vmem>> -> memref<16x1024xf32, #tpu.memory_space<vmem>>
    %dma_start3A_25 = tpu.memref_slice %arg8[%multiple_of3A_19] : memref<1024xi32, #tpu.memory_space<vmem>> -> memref<16xi32, #tpu.memory_space<vmem>>
    %dma_start3A_26 = arith.constant 0 : i32
    %dma_start3A_27 = arith.constant 0 : i32
    %dma_start3A_28 = tpu.memref_slice %arg2[%dma_start3A_26, %dma_start3A_27] : memref<32768x1024xf32, #tpu.memory_space<hbm>> -> memref<32768x1024xf32, #tpu.memory_space<hbm>>
    tpu.enqueue_indirect_dma source(%dma_start3A_28 : memref<32768x1024xf32, #tpu.memory_space<hbm>>) target(%dma_start3A_24 : memref<16x1024xf32, #tpu.memory_space<vmem>>) offsets(%dma_start3A_25 : memref<16xi32, #tpu.memory_space<vmem>>) semaphore(%arg10 : memref<!tpu.dma_semaphore, #tpu.memory_space<semaphore_mem>>)
    %multiple_of3A_29 = arith.constant 16 : i32
    %multiple_of3A_30 = tpu.assume_multiple %multiple_of3A_29, 16 : i32
    %dma_start3A_31 = arith.constant 1 : i32
    %dma_start3A_32 = arith.constant 0 : i32
    %dma_start3A_33 = arith.constant 0 : i32
    %dma_start3A_34 = tpu.memref_slice %arg9[%dma_start3A_31, %dma_start3A_32, %dma_start3A_33] : memref<4x16x1024xf32, #tpu.memory_space<vmem>> -> memref<1x16x1024xf32, #tpu.memory_space<vmem>>
    %dma_start3A_35 = tpu.memref_squeeze %dma_start3A_34 : memref<1x16x1024xf32, #tpu.memory_space<vmem>> -> memref<16x1024xf32, #tpu.memory_space<vmem>>
    %dma_start3A_36 = tpu.memref_slice %arg8[%multiple_of3A_30] : memref<1024xi32, #tpu.memory_space<vmem>> -> memref<16xi32, #tpu.memory_space<vmem>>
    %dma_start3A_37 = arith.constant 0 : i32
    %dma_start3A_38 = arith.constant 0 : i32
    %dma_start3A_39 = tpu.memref_slice %arg2[%dma_start3A_37, %dma_start3A_38] : memref<32768x1024xf32, #tpu.memory_space<hbm>> -> memref<32768x1024xf32, #tpu.memory_space<hbm>>
    tpu.enqueue_indirect_dma source(%dma_start3A_39 : memref<32768x1024xf32, #tpu.memory_space<hbm>>) target(%dma_start3A_35 : memref<16x1024xf32, #tpu.memory_space<vmem>>) offsets(%dma_start3A_36 : memref<16xi32, #tpu.memory_space<vmem>>) semaphore(%arg11 : memref<!tpu.dma_semaphore, #tpu.memory_space<semaphore_mem>>)
    %scan3A_40 = arith.constant 0 : i32
    %scan3A_41 = arith.constant 0 : i32
    %scan3A_42 = arith.constant 16 : i32
    %scan3A_43 = arith.addi %scan3A_41, %scan3A_42 : i32
    %scan3A_44 = arith.constant 1 : i32
    scf.for %scan3A_98 = %scan3A_41 to %scan3A_43 step %scan3A_44  : i32 {
      %mul3A_99 = arith.constant 4 : i32
      %mul3A_100 = arith.muli %scan3A_98, %mul3A_99 : i32
      %add3A_101 = arith.constant 0 : i32
      %add3A_102 = arith.addi %mul3A_100, %add3A_101 : i32
      %dma_wait3A_103 = arith.constant 0 : i32
      %dma_wait3A_104 = arith.constant 0 : i32
      %dma_wait3A_105 = arith.constant 0 : i32
      %dma_wait3A_106 = tpu.memref_slice %arg9[%dma_wait3A_103, %dma_wait3A_104, %dma_wait3A_105] : memref<4x16x1024xf32, #tpu.memory_space<vmem>> -> memref<1x16x1024xf32, #tpu.memory_space<vmem>>
      %dma_wait3A_107 = tpu.memref_squeeze %dma_wait3A_106 : memref<1x16x1024xf32, #tpu.memory_space<vmem>> -> memref<16x1024xf32, #tpu.memory_space<vmem>>
      %dma_wait3A_108 = arith.constant 0 : i32
      %dma_wait3A_109 = arith.constant 0 : i32
      %dma_wait3A_110 = tpu.memref_slice %arg2[%dma_wait3A_108, %dma_wait3A_109] : memref<32768x1024xf32, #tpu.memory_space<hbm>> -> memref<16x1024xf32, #tpu.memory_space<hbm>>
      %dma_wait3A_111 = arith.constant 0 : i32
      %dma_wait3A_112 = arith.constant 0 : i32
      %dma_wait3A_113 = tpu.memref_slice %arg9[%dma_wait3A_103, %dma_wait3A_111, %dma_wait3A_112] : memref<4x16x1024xf32, #tpu.memory_space<vmem>> -> memref<1x16x1024xf32, #tpu.memory_space<vmem>>
      %dma_wait3A_114 = tpu.memref_squeeze %dma_wait3A_113 : memref<1x16x1024xf32, #tpu.memory_space<vmem>> -> memref<16x1024xf32, #tpu.memory_space<vmem>>
      %dma_wait3A_115 = arith.constant 0 : i32
      %dma_wait3A_116 = arith.constant 0 : i32
      %dma_wait3A_117 = tpu.memref_slice %arg2[%dma_wait3A_115, %dma_wait3A_116] : memref<32768x1024xf32, #tpu.memory_space<hbm>> -> memref<16x1024xf32, #tpu.memory_space<hbm>>
      tpu.wait_dma2 semaphore(%arg10 : memref<!tpu.dma_semaphore, #tpu.memory_space<semaphore_mem>>) src(%dma_wait3A_117 : memref<16x1024xf32, #tpu.memory_space<hbm>>) dst(%dma_wait3A_114 : memref<16x1024xf32, #tpu.memory_space<vmem>>)
      %mul3A_118 = arith.constant 16 : i32
      %mul3A_119 = arith.muli %add3A_102, %mul3A_118 : i32
      %add3A_120 = arith.addi %mul3A_2, %mul3A_119 : i32
      %multiple_of3A_121 = tpu.assume_multiple %add3A_120, 16 : i32
      %dma_start3A_122 = arith.constant 0 : i32
      %dma_start3A_123 = arith.constant 0 : i32
      %dma_start3A_124 = arith.constant 0 : i32
      %dma_start3A_125 = tpu.memref_slice %arg9[%dma_start3A_122, %dma_start3A_123, %dma_start3A_124] : memref<4x16x1024xf32, #tpu.memory_space<vmem>> -> memref<1x16x1024xf32, #tpu.memory_space<vmem>>
      %dma_start3A_126 = tpu.memref_squeeze %dma_start3A_125 : memref<1x16x1024xf32, #tpu.memory_space<vmem>> -> memref<16x1024xf32, #tpu.memory_space<vmem>>
      %dma_start3A_127 = arith.constant 0 : i32
      %dma_start3A_128 = tpu.memref_slice %arg5[%multiple_of3A_121, %dma_start3A_127] : memref<32768x1024xf32, #tpu.memory_space<hbm>> -> memref<16x1024xf32, #tpu.memory_space<hbm>>
      %dma_start3A_129 = arith.constant 0 : i32
      %dma_start3A_130 = tpu.memref_slice %arg5[%multiple_of3A_121, %dma_start3A_129] : memref<32768x1024xf32, #tpu.memory_space<hbm>> -> memref<16x1024xf32, #tpu.memory_space<hbm>>
      %dma_start3A_131 = arith.constant 0 : i32
      %dma_start3A_132 = arith.constant 0 : i32
      %dma_start3A_133 = tpu.memref_slice %arg9[%dma_start3A_122, %dma_start3A_131, %dma_start3A_132] : memref<4x16x1024xf32, #tpu.memory_space<vmem>> -> memref<1x16x1024xf32, #tpu.memory_space<vmem>>
      %dma_start3A_134 = tpu.memref_squeeze %dma_start3A_133 : memref<1x16x1024xf32, #tpu.memory_space<vmem>> -> memref<16x1024xf32, #tpu.memory_space<vmem>>
      tpu.enqueue_dma source(%dma_start3A_134 : memref<16x1024xf32, #tpu.memory_space<vmem>>) target(%dma_start3A_130 : memref<16x1024xf32, #tpu.memory_space<hbm>>) target_semaphore(%arg14 : memref<!tpu.dma_semaphore, #tpu.memory_space<semaphore_mem>>)
      %add3A_135 = arith.constant 2 : i32
      %add3A_136 = arith.addi %add3A_102, %add3A_135 : i32
      %lt3A = arith.constant 64 : i32
      %lt3A_137 = arith.cmpi slt, %add3A_136, %lt3A : i32
      %convert_element_type3A = arith.extui %lt3A_137 : i1 to i32
      %cond3A = arith.constant 0 : i32
      %cond3A_138 = arith.cmpi ne, %convert_element_type3A, %cond3A : i32
      scf.if %cond3A_138 {
        %ge3A = arith.constant 2 : i32
        %ge3A_268 = arith.cmpi sge, %add3A_102, %ge3A : i32
        %convert_element_type3A_269 = arith.extui %ge3A_268 : i1 to i32
        %cond3A_270 = arith.constant 0 : i32
        %cond3A_271 = arith.cmpi ne, %convert_element_type3A_269, %cond3A_270 : i32
        scf.if %cond3A_271 {
          %dma_wait3A_286 = arith.constant 2 : i32
          %dma_wait3A_287 = arith.constant 0 : i32
          %dma_wait3A_288 = arith.constant 0 : i32
          %dma_wait3A_289 = tpu.memref_slice %arg9[%dma_wait3A_286, %dma_wait3A_287, %dma_wait3A_288] : memref<4x16x1024xf32, #tpu.memory_space<vmem>> -> memref<1x16x1024xf32, #tpu.memory_space<vmem>>
          %dma_wait3A_290 = tpu.memref_squeeze %dma_wait3A_289 : memref<1x16x1024xf32, #tpu.memory_space<vmem>> -> memref<16x1024xf32, #tpu.memory_space<vmem>>
          %dma_wait3A_291 = arith.constant 0 : i32
          %dma_wait3A_292 = tpu.memref_slice %arg5[%mul3A_2, %dma_wait3A_291] : memref<32768x1024xf32, #tpu.memory_space<hbm>> -> memref<16x1024xf32, #tpu.memory_space<hbm>>
          %dma_wait3A_293 = arith.constant 0 : i32
          %dma_wait3A_294 = tpu.memref_slice %arg5[%mul3A_2, %dma_wait3A_293] : memref<32768x1024xf32, #tpu.memory_space<hbm>> -> memref<16x1024xf32, #tpu.memory_space<hbm>>
          %dma_wait3A_295 = arith.constant 0 : i32
          %dma_wait3A_296 = arith.constant 0 : i32
          %dma_wait3A_297 = tpu.memref_slice %arg9[%dma_wait3A_286, %dma_wait3A_295, %dma_wait3A_296] : memref<4x16x1024xf32, #tpu.memory_space<vmem>> -> memref<1x16x1024xf32, #tpu.memory_space<vmem>>
          %dma_wait3A_298 = tpu.memref_squeeze %dma_wait3A_297 : memref<1x16x1024xf32, #tpu.memory_space<vmem>> -> memref<16x1024xf32, #tpu.memory_space<vmem>>
          tpu.wait_dma2 semaphore(%arg16 : memref<!tpu.dma_semaphore, #tpu.memory_space<semaphore_mem>>) src(%dma_wait3A_298 : memref<16x1024xf32, #tpu.memory_space<vmem>>) dst(%dma_wait3A_294 : memref<16x1024xf32, #tpu.memory_space<hbm>>)
        } else {
        }
        %add3A_272 = arith.constant 2 : i32
        %add3A_273 = arith.addi %add3A_102, %add3A_272 : i32
        %mul3A_274 = arith.constant 16 : i32
        %mul3A_275 = arith.muli %add3A_273, %mul3A_274 : i32
        %multiple_of3A_276 = tpu.assume_multiple %mul3A_275, 16 : i32
        %dma_start3A_277 = arith.constant 2 : i32
        %dma_start3A_278 = arith.constant 0 : i32
        %dma_start3A_279 = arith.constant 0 : i32
        %dma_start3A_280 = tpu.memref_slice %arg9[%dma_start3A_277, %dma_start3A_278, %dma_start3A_279] : memref<4x16x1024xf32, #tpu.memory_space<vmem>> -> memref<1x16x1024xf32, #tpu.memory_space<vmem>>
        %dma_start3A_281 = tpu.memref_squeeze %dma_start3A_280 : memref<1x16x1024xf32, #tpu.memory_space<vmem>> -> memref<16x1024xf32, #tpu.memory_space<vmem>>
        %dma_start3A_282 = tpu.memref_slice %arg8[%multiple_of3A_276] : memref<1024xi32, #tpu.memory_space<vmem>> -> memref<16xi32, #tpu.memory_space<vmem>>
        %dma_start3A_283 = arith.constant 0 : i32
        %dma_start3A_284 = arith.constant 0 : i32
        %dma_start3A_285 = tpu.memref_slice %arg2[%dma_start3A_283, %dma_start3A_284] : memref<32768x1024xf32, #tpu.memory_space<hbm>> -> memref<32768x1024xf32, #tpu.memory_space<hbm>>
        tpu.enqueue_indirect_dma source(%dma_start3A_285 : memref<32768x1024xf32, #tpu.memory_space<hbm>>) target(%dma_start3A_281 : memref<16x1024xf32, #tpu.memory_space<vmem>>) offsets(%dma_start3A_282 : memref<16xi32, #tpu.memory_space<vmem>>) semaphore(%arg12 : memref<!tpu.dma_semaphore, #tpu.memory_space<semaphore_mem>>)
      } else {
      }
      %mul3A_139 = arith.constant 4 : i32
      %mul3A_140 = arith.muli %scan3A_98, %mul3A_139 : i32
      %add3A_141 = arith.constant 1 : i32
      %add3A_142 = arith.addi %mul3A_140, %add3A_141 : i32
      %dma_wait3A_143 = arith.constant 1 : i32
      %dma_wait3A_144 = arith.constant 0 : i32
      %dma_wait3A_145 = arith.constant 0 : i32
      %dma_wait3A_146 = tpu.memref_slice %arg9[%dma_wait3A_143, %dma_wait3A_144, %dma_wait3A_145] : memref<4x16x1024xf32, #tpu.memory_space<vmem>> -> memref<1x16x1024xf32, #tpu.memory_space<vmem>>
      %dma_wait3A_147 = tpu.memref_squeeze %dma_wait3A_146 : memref<1x16x1024xf32, #tpu.memory_space<vmem>> -> memref<16x1024xf32, #tpu.memory_space<vmem>>
      %dma_wait3A_148 = arith.constant 0 : i32
      %dma_wait3A_149 = arith.constant 0 : i32
      %dma_wait3A_150 = tpu.memref_slice %arg2[%dma_wait3A_148, %dma_wait3A_149] : memref<32768x1024xf32, #tpu.memory_space<hbm>> -> memref<16x1024xf32, #tpu.memory_space<hbm>>
      %dma_wait3A_151 = arith.constant 0 : i32
      %dma_wait3A_152 = arith.constant 0 : i32
      %dma_wait3A_153 = tpu.memref_slice %arg9[%dma_wait3A_143, %dma_wait3A_151, %dma_wait3A_152] : memref<4x16x1024xf32, #tpu.memory_space<vmem>> -> memref<1x16x1024xf32, #tpu.memory_space<vmem>>
      %dma_wait3A_154 = tpu.memref_squeeze %dma_wait3A_153 : memref<1x16x1024xf32, #tpu.memory_space<vmem>> -> memref<16x1024xf32, #tpu.memory_space<vmem>>
      %dma_wait3A_155 = arith.constant 0 : i32
      %dma_wait3A_156 = arith.constant 0 : i32
      %dma_wait3A_157 = tpu.memref_slice %arg2[%dma_wait3A_155, %dma_wait3A_156] : memref<32768x1024xf32, #tpu.memory_space<hbm>> -> memref<16x1024xf32, #tpu.memory_space<hbm>>
      tpu.wait_dma2 semaphore(%arg11 : memref<!tpu.dma_semaphore, #tpu.memory_space<semaphore_mem>>) src(%dma_wait3A_157 : memref<16x1024xf32, #tpu.memory_space<hbm>>) dst(%dma_wait3A_154 : memref<16x1024xf32, #tpu.memory_space<vmem>>)
      %mul3A_158 = arith.constant 16 : i32
      %mul3A_159 = arith.muli %add3A_142, %mul3A_158 : i32
      %add3A_160 = arith.addi %mul3A_2, %mul3A_159 : i32
      %multiple_of3A_161 = tpu.assume_multiple %add3A_160, 16 : i32
      %dma_start3A_162 = arith.constant 1 : i32
      %dma_start3A_163 = arith.constant 0 : i32
      %dma_start3A_164 = arith.constant 0 : i32
      %dma_start3A_165 = tpu.memref_slice %arg9[%dma_start3A_162, %dma_start3A_163, %dma_start3A_164] : memref<4x16x1024xf32, #tpu.memory_space<vmem>> -> memref<1x16x1024xf32, #tpu.memory_space<vmem>>
      %dma_start3A_166 = tpu.memref_squeeze %dma_start3A_165 : memref<1x16x1024xf32, #tpu.memory_space<vmem>> -> memref<16x1024xf32, #tpu.memory_space<vmem>>
      %dma_start3A_167 = arith.constant 0 : i32
      %dma_start3A_168 = tpu.memref_slice %arg5[%multiple_of3A_161, %dma_start3A_167] : memref<32768x1024xf32, #tpu.memory_space<hbm>> -> memref<16x1024xf32, #tpu.memory_space<hbm>>
      %dma_start3A_169 = arith.constant 0 : i32
      %dma_start3A_170 = tpu.memref_slice %arg5[%multiple_of3A_161, %dma_start3A_169] : memref<32768x1024xf32, #tpu.memory_space<hbm>> -> memref<16x1024xf32, #tpu.memory_space<hbm>>
      %dma_start3A_171 = arith.constant 0 : i32
      %dma_start3A_172 = arith.constant 0 : i32
      %dma_start3A_173 = tpu.memref_slice %arg9[%dma_start3A_162, %dma_start3A_171, %dma_start3A_172] : memref<4x16x1024xf32, #tpu.memory_space<vmem>> -> memref<1x16x1024xf32, #tpu.memory_space<vmem>>
      %dma_start3A_174 = tpu.memref_squeeze %dma_start3A_173 : memref<1x16x1024xf32, #tpu.memory_space<vmem>> -> memref<16x1024xf32, #tpu.memory_space<vmem>>
      tpu.enqueue_dma source(%dma_start3A_174 : memref<16x1024xf32, #tpu.memory_space<vmem>>) target(%dma_start3A_170 : memref<16x1024xf32, #tpu.memory_space<hbm>>) target_semaphore(%arg15 : memref<!tpu.dma_semaphore, #tpu.memory_space<semaphore_mem>>)
      %add3A_175 = arith.constant 2 : i32
      %add3A_176 = arith.addi %add3A_142, %add3A_175 : i32
      %lt3A_177 = arith.constant 64 : i32
      %lt3A_178 = arith.cmpi slt, %add3A_176, %lt3A_177 : i32
      %convert_element_type3A_179 = arith.extui %lt3A_178 : i1 to i32
      %cond3A_180 = arith.constant 0 : i32
      %cond3A_181 = arith.cmpi ne, %convert_element_type3A_179, %cond3A_180 : i32
      scf.if %cond3A_181 {
        %ge3A = arith.constant 2 : i32
        %ge3A_268 = arith.cmpi sge, %add3A_142, %ge3A : i32
        %convert_element_type3A_269 = arith.extui %ge3A_268 : i1 to i32
        %cond3A_270 = arith.constant 0 : i32
        %cond3A_271 = arith.cmpi ne, %convert_element_type3A_269, %cond3A_270 : i32
        scf.if %cond3A_271 {
          %dma_wait3A_286 = arith.constant 3 : i32
          %dma_wait3A_287 = arith.constant 0 : i32
          %dma_wait3A_288 = arith.constant 0 : i32
          %dma_wait3A_289 = tpu.memref_slice %arg9[%dma_wait3A_286, %dma_wait3A_287, %dma_wait3A_288] : memref<4x16x1024xf32, #tpu.memory_space<vmem>> -> memref<1x16x1024xf32, #tpu.memory_space<vmem>>
          %dma_wait3A_290 = tpu.memref_squeeze %dma_wait3A_289 : memref<1x16x1024xf32, #tpu.memory_space<vmem>> -> memref<16x1024xf32, #tpu.memory_space<vmem>>
          %dma_wait3A_291 = arith.constant 0 : i32
          %dma_wait3A_292 = tpu.memref_slice %arg5[%mul3A_2, %dma_wait3A_291] : memref<32768x1024xf32, #tpu.memory_space<hbm>> -> memref<16x1024xf32, #tpu.memory_space<hbm>>
          %dma_wait3A_293 = arith.constant 0 : i32
          %dma_wait3A_294 = tpu.memref_slice %arg5[%mul3A_2, %dma_wait3A_293] : memref<32768x1024xf32, #tpu.memory_space<hbm>> -> memref<16x1024xf32, #tpu.memory_space<hbm>>
          %dma_wait3A_295 = arith.constant 0 : i32
          %dma_wait3A_296 = arith.constant 0 : i32
          %dma_wait3A_297 = tpu.memref_slice %arg9[%dma_wait3A_286, %dma_wait3A_295, %dma_wait3A_296] : memref<4x16x1024xf32, #tpu.memory_space<vmem>> -> memref<1x16x1024xf32, #tpu.memory_space<vmem>>
          %dma_wait3A_298 = tpu.memref_squeeze %dma_wait3A_297 : memref<1x16x1024xf32, #tpu.memory_space<vmem>> -> memref<16x1024xf32, #tpu.memory_space<vmem>>
          tpu.wait_dma2 semaphore(%arg17 : memref<!tpu.dma_semaphore, #tpu.memory_space<semaphore_mem>>) src(%dma_wait3A_298 : memref<16x1024xf32, #tpu.memory_space<vmem>>) dst(%dma_wait3A_294 : memref<16x1024xf32, #tpu.memory_space<hbm>>)
        } else {
        }
        %add3A_272 = arith.constant 2 : i32
        %add3A_273 = arith.addi %add3A_142, %add3A_272 : i32
        %mul3A_274 = arith.constant 16 : i32
        %mul3A_275 = arith.muli %add3A_273, %mul3A_274 : i32
        %multiple_of3A_276 = tpu.assume_multiple %mul3A_275, 16 : i32
        %dma_start3A_277 = arith.constant 3 : i32
        %dma_start3A_278 = arith.constant 0 : i32
        %dma_start3A_279 = arith.constant 0 : i32
        %dma_start3A_280 = tpu.memref_slice %arg9[%dma_start3A_277, %dma_start3A_278, %dma_start3A_279] : memref<4x16x1024xf32, #tpu.memory_space<vmem>> -> memref<1x16x1024xf32, #tpu.memory_space<vmem>>
        %dma_start3A_281 = tpu.memref_squeeze %dma_start3A_280 : memref<1x16x1024xf32, #tpu.memory_space<vmem>> -> memref<16x1024xf32, #tpu.memory_space<vmem>>
        %dma_start3A_282 = tpu.memref_slice %arg8[%multiple_of3A_276] : memref<1024xi32, #tpu.memory_space<vmem>> -> memref<16xi32, #tpu.memory_space<vmem>>
        %dma_start3A_283 = arith.constant 0 : i32
        %dma_start3A_284 = arith.constant 0 : i32
        %dma_start3A_285 = tpu.memref_slice %arg2[%dma_start3A_283, %dma_start3A_284] : memref<32768x1024xf32, #tpu.memory_space<hbm>> -> memref<32768x1024xf32, #tpu.memory_space<hbm>>
        tpu.enqueue_indirect_dma source(%dma_start3A_285 : memref<32768x1024xf32, #tpu.memory_space<hbm>>) target(%dma_start3A_281 : memref<16x1024xf32, #tpu.memory_space<vmem>>) offsets(%dma_start3A_282 : memref<16xi32, #tpu.memory_space<vmem>>) semaphore(%arg13 : memref<!tpu.dma_semaphore, #tpu.memory_space<semaphore_mem>>)
      } else {
      }
      %mul3A_182 = arith.constant 4 : i32
      %mul3A_183 = arith.muli %scan3A_98, %mul3A_182 : i32
      %add3A_184 = arith.constant 2 : i32
      %add3A_185 = arith.addi %mul3A_183, %add3A_184 : i32
      %dma_wait3A_186 = arith.constant 2 : i32
      %dma_wait3A_187 = arith.constant 0 : i32
      %dma_wait3A_188 = arith.constant 0 : i32
      %dma_wait3A_189 = tpu.memref_slice %arg9[%dma_wait3A_186, %dma_wait3A_187, %dma_wait3A_188] : memref<4x16x1024xf32, #tpu.memory_space<vmem>> -> memref<1x16x1024xf32, #tpu.memory_space<vmem>>
      %dma_wait3A_190 = tpu.memref_squeeze %dma_wait3A_189 : memref<1x16x1024xf32, #tpu.memory_space<vmem>> -> memref<16x1024xf32, #tpu.memory_space<vmem>>
      %dma_wait3A_191 = arith.constant 0 : i32
      %dma_wait3A_192 = arith.constant 0 : i32
      %dma_wait3A_193 = tpu.memref_slice %arg2[%dma_wait3A_191, %dma_wait3A_192] : memref<32768x1024xf32, #tpu.memory_space<hbm>> -> memref<16x1024xf32, #tpu.memory_space<hbm>>
      %dma_wait3A_194 = arith.constant 0 : i32
      %dma_wait3A_195 = arith.constant 0 : i32
      %dma_wait3A_196 = tpu.memref_slice %arg9[%dma_wait3A_186, %dma_wait3A_194, %dma_wait3A_195] : memref<4x16x1024xf32, #tpu.memory_space<vmem>> -> memref<1x16x1024xf32, #tpu.memory_space<vmem>>
      %dma_wait3A_197 = tpu.memref_squeeze %dma_wait3A_196 : memref<1x16x1024xf32, #tpu.memory_space<vmem>> -> memref<16x1024xf32, #tpu.memory_space<vmem>>
      %dma_wait3A_198 = arith.constant 0 : i32
      %dma_wait3A_199 = arith.constant 0 : i32
      %dma_wait3A_200 = tpu.memref_slice %arg2[%dma_wait3A_198, %dma_wait3A_199] : memref<32768x1024xf32, #tpu.memory_space<hbm>> -> memref<16x1024xf32, #tpu.memory_space<hbm>>
      tpu.wait_dma2 semaphore(%arg12 : memref<!tpu.dma_semaphore, #tpu.memory_space<semaphore_mem>>) src(%dma_wait3A_200 : memref<16x1024xf32, #tpu.memory_space<hbm>>) dst(%dma_wait3A_197 : memref<16x1024xf32, #tpu.memory_space<vmem>>)
      %mul3A_201 = arith.constant 16 : i32
      %mul3A_202 = arith.muli %add3A_185, %mul3A_201 : i32
      %add3A_203 = arith.addi %mul3A_2, %mul3A_202 : i32
      %multiple_of3A_204 = tpu.assume_multiple %add3A_203, 16 : i32
      %dma_start3A_205 = arith.constant 2 : i32
      %dma_start3A_206 = arith.constant 0 : i32
      %dma_start3A_207 = arith.constant 0 : i32
      %dma_start3A_208 = tpu.memref_slice %arg9[%dma_start3A_205, %dma_start3A_206, %dma_start3A_207] : memref<4x16x1024xf32, #tpu.memory_space<vmem>> -> memref<1x16x1024xf32, #tpu.memory_space<vmem>>
      %dma_start3A_209 = tpu.memref_squeeze %dma_start3A_208 : memref<1x16x1024xf32, #tpu.memory_space<vmem>> -> memref<16x1024xf32, #tpu.memory_space<vmem>>
      %dma_start3A_210 = arith.constant 0 : i32
      %dma_start3A_211 = tpu.memref_slice %arg5[%multiple_of3A_204, %dma_start3A_210] : memref<32768x1024xf32, #tpu.memory_space<hbm>> -> memref<16x1024xf32, #tpu.memory_space<hbm>>
      %dma_start3A_212 = arith.constant 0 : i32
      %dma_start3A_213 = tpu.memref_slice %arg5[%multiple_of3A_204, %dma_start3A_212] : memref<32768x1024xf32, #tpu.memory_space<hbm>> -> memref<16x1024xf32, #tpu.memory_space<hbm>>
      %dma_start3A_214 = arith.constant 0 : i32
      %dma_start3A_215 = arith.constant 0 : i32
      %dma_start3A_216 = tpu.memref_slice %arg9[%dma_start3A_205, %dma_start3A_214, %dma_start3A_215] : memref<4x16x1024xf32, #tpu.memory_space<vmem>> -> memref<1x16x1024xf32, #tpu.memory_space<vmem>>
      %dma_start3A_217 = tpu.memref_squeeze %dma_start3A_216 : memref<1x16x1024xf32, #tpu.memory_space<vmem>> -> memref<16x1024xf32, #tpu.memory_space<vmem>>
      tpu.enqueue_dma source(%dma_start3A_217 : memref<16x1024xf32, #tpu.memory_space<vmem>>) target(%dma_start3A_213 : memref<16x1024xf32, #tpu.memory_space<hbm>>) target_semaphore(%arg16 : memref<!tpu.dma_semaphore, #tpu.memory_space<semaphore_mem>>)
      %add3A_218 = arith.constant 2 : i32
      %add3A_219 = arith.addi %add3A_185, %add3A_218 : i32
      %lt3A_220 = arith.constant 64 : i32
      %lt3A_221 = arith.cmpi slt, %add3A_219, %lt3A_220 : i32
      %convert_element_type3A_222 = arith.extui %lt3A_221 : i1 to i32
      %cond3A_223 = arith.constant 0 : i32
      %cond3A_224 = arith.cmpi ne, %convert_element_type3A_222, %cond3A_223 : i32
      scf.if %cond3A_224 {
        %ge3A = arith.constant 2 : i32
        %ge3A_268 = arith.cmpi sge, %add3A_185, %ge3A : i32
        %convert_element_type3A_269 = arith.extui %ge3A_268 : i1 to i32
        %cond3A_270 = arith.constant 0 : i32
        %cond3A_271 = arith.cmpi ne, %convert_element_type3A_269, %cond3A_270 : i32
        scf.if %cond3A_271 {
          %dma_wait3A_286 = arith.constant 0 : i32
          %dma_wait3A_287 = arith.constant 0 : i32
          %dma_wait3A_288 = arith.constant 0 : i32
          %dma_wait3A_289 = tpu.memref_slice %arg9[%dma_wait3A_286, %dma_wait3A_287, %dma_wait3A_288] : memref<4x16x1024xf32, #tpu.memory_space<vmem>> -> memref<1x16x1024xf32, #tpu.memory_space<vmem>>
          %dma_wait3A_290 = tpu.memref_squeeze %dma_wait3A_289 : memref<1x16x1024xf32, #tpu.memory_space<vmem>> -> memref<16x1024xf32, #tpu.memory_space<vmem>>
          %dma_wait3A_291 = arith.constant 0 : i32
          %dma_wait3A_292 = tpu.memref_slice %arg5[%mul3A_2, %dma_wait3A_291] : memref<32768x1024xf32, #tpu.memory_space<hbm>> -> memref<16x1024xf32, #tpu.memory_space<hbm>>
          %dma_wait3A_293 = arith.constant 0 : i32
          %dma_wait3A_294 = tpu.memref_slice %arg5[%mul3A_2, %dma_wait3A_293] : memref<32768x1024xf32, #tpu.memory_space<hbm>> -> memref<16x1024xf32, #tpu.memory_space<hbm>>
          %dma_wait3A_295 = arith.constant 0 : i32
          %dma_wait3A_296 = arith.constant 0 : i32
          %dma_wait3A_297 = tpu.memref_slice %arg9[%dma_wait3A_286, %dma_wait3A_295, %dma_wait3A_296] : memref<4x16x1024xf32, #tpu.memory_space<vmem>> -> memref<1x16x1024xf32, #tpu.memory_space<vmem>>
          %dma_wait3A_298 = tpu.memref_squeeze %dma_wait3A_297 : memref<1x16x1024xf32, #tpu.memory_space<vmem>> -> memref<16x1024xf32, #tpu.memory_space<vmem>>
          tpu.wait_dma2 semaphore(%arg14 : memref<!tpu.dma_semaphore, #tpu.memory_space<semaphore_mem>>) src(%dma_wait3A_298 : memref<16x1024xf32, #tpu.memory_space<vmem>>) dst(%dma_wait3A_294 : memref<16x1024xf32, #tpu.memory_space<hbm>>)
        } else {
        }
        %add3A_272 = arith.constant 2 : i32
        %add3A_273 = arith.addi %add3A_185, %add3A_272 : i32
        %mul3A_274 = arith.constant 16 : i32
        %mul3A_275 = arith.muli %add3A_273, %mul3A_274 : i32
        %multiple_of3A_276 = tpu.assume_multiple %mul3A_275, 16 : i32
        %dma_start3A_277 = arith.constant 0 : i32
        %dma_start3A_278 = arith.constant 0 : i32
        %dma_start3A_279 = arith.constant 0 : i32
        %dma_start3A_280 = tpu.memref_slice %arg9[%dma_start3A_277, %dma_start3A_278, %dma_start3A_279] : memref<4x16x1024xf32, #tpu.memory_space<vmem>> -> memref<1x16x1024xf32, #tpu.memory_space<vmem>>
        %dma_start3A_281 = tpu.memref_squeeze %dma_start3A_280 : memref<1x16x1024xf32, #tpu.memory_space<vmem>> -> memref<16x1024xf32, #tpu.memory_space<vmem>>
        %dma_start3A_282 = tpu.memref_slice %arg8[%multiple_of3A_276] : memref<1024xi32, #tpu.memory_space<vmem>> -> memref<16xi32, #tpu.memory_space<vmem>>
        %dma_start3A_283 = arith.constant 0 : i32
        %dma_start3A_284 = arith.constant 0 : i32
        %dma_start3A_285 = tpu.memref_slice %arg2[%dma_start3A_283, %dma_start3A_284] : memref<32768x1024xf32, #tpu.memory_space<hbm>> -> memref<32768x1024xf32, #tpu.memory_space<hbm>>
        tpu.enqueue_indirect_dma source(%dma_start3A_285 : memref<32768x1024xf32, #tpu.memory_space<hbm>>) target(%dma_start3A_281 : memref<16x1024xf32, #tpu.memory_space<vmem>>) offsets(%dma_start3A_282 : memref<16xi32, #tpu.memory_space<vmem>>) semaphore(%arg10 : memref<!tpu.dma_semaphore, #tpu.memory_space<semaphore_mem>>)
      } else {
      }
      %mul3A_225 = arith.constant 4 : i32
      %mul3A_226 = arith.muli %scan3A_98, %mul3A_225 : i32
      %add3A_227 = arith.constant 3 : i32
      %add3A_228 = arith.addi %mul3A_226, %add3A_227 : i32
      %dma_wait3A_229 = arith.constant 3 : i32
      %dma_wait3A_230 = arith.constant 0 : i32
      %dma_wait3A_231 = arith.constant 0 : i32
      %dma_wait3A_232 = tpu.memref_slice %arg9[%dma_wait3A_229, %dma_wait3A_230, %dma_wait3A_231] : memref<4x16x1024xf32, #tpu.memory_space<vmem>> -> memref<1x16x1024xf32, #tpu.memory_space<vmem>>
      %dma_wait3A_233 = tpu.memref_squeeze %dma_wait3A_232 : memref<1x16x1024xf32, #tpu.memory_space<vmem>> -> memref<16x1024xf32, #tpu.memory_space<vmem>>
      %dma_wait3A_234 = arith.constant 0 : i32
      %dma_wait3A_235 = arith.constant 0 : i32
      %dma_wait3A_236 = tpu.memref_slice %arg2[%dma_wait3A_234, %dma_wait3A_235] : memref<32768x1024xf32, #tpu.memory_space<hbm>> -> memref<16x1024xf32, #tpu.memory_space<hbm>>
      %dma_wait3A_237 = arith.constant 0 : i32
      %dma_wait3A_238 = arith.constant 0 : i32
      %dma_wait3A_239 = tpu.memref_slice %arg9[%dma_wait3A_229, %dma_wait3A_237, %dma_wait3A_238] : memref<4x16x1024xf32, #tpu.memory_space<vmem>> -> memref<1x16x1024xf32, #tpu.memory_space<vmem>>
      %dma_wait3A_240 = tpu.memref_squeeze %dma_wait3A_239 : memref<1x16x1024xf32, #tpu.memory_space<vmem>> -> memref<16x1024xf32, #tpu.memory_space<vmem>>
      %dma_wait3A_241 = arith.constant 0 : i32
      %dma_wait3A_242 = arith.constant 0 : i32
      %dma_wait3A_243 = tpu.memref_slice %arg2[%dma_wait3A_241, %dma_wait3A_242] : memref<32768x1024xf32, #tpu.memory_space<hbm>> -> memref<16x1024xf32, #tpu.memory_space<hbm>>
      tpu.wait_dma2 semaphore(%arg13 : memref<!tpu.dma_semaphore, #tpu.memory_space<semaphore_mem>>) src(%dma_wait3A_243 : memref<16x1024xf32, #tpu.memory_space<hbm>>) dst(%dma_wait3A_240 : memref<16x1024xf32, #tpu.memory_space<vmem>>)
      %mul3A_244 = arith.constant 16 : i32
      %mul3A_245 = arith.muli %add3A_228, %mul3A_244 : i32
      %add3A_246 = arith.addi %mul3A_2, %mul3A_245 : i32
      %multiple_of3A_247 = tpu.assume_multiple %add3A_246, 16 : i32
      %dma_start3A_248 = arith.constant 3 : i32
      %dma_start3A_249 = arith.constant 0 : i32
      %dma_start3A_250 = arith.constant 0 : i32
      %dma_start3A_251 = tpu.memref_slice %arg9[%dma_start3A_248, %dma_start3A_249, %dma_start3A_250] : memref<4x16x1024xf32, #tpu.memory_space<vmem>> -> memref<1x16x1024xf32, #tpu.memory_space<vmem>>
      %dma_start3A_252 = tpu.memref_squeeze %dma_start3A_251 : memref<1x16x1024xf32, #tpu.memory_space<vmem>> -> memref<16x1024xf32, #tpu.memory_space<vmem>>
      %dma_start3A_253 = arith.constant 0 : i32
      %dma_start3A_254 = tpu.memref_slice %arg5[%multiple_of3A_247, %dma_start3A_253] : memref<32768x1024xf32, #tpu.memory_space<hbm>> -> memref<16x1024xf32, #tpu.memory_space<hbm>>
      %dma_start3A_255 = arith.constant 0 : i32
      %dma_start3A_256 = tpu.memref_slice %arg5[%multiple_of3A_247, %dma_start3A_255] : memref<32768x1024xf32, #tpu.memory_space<hbm>> -> memref<16x1024xf32, #tpu.memory_space<hbm>>
      %dma_start3A_257 = arith.constant 0 : i32
      %dma_start3A_258 = arith.constant 0 : i32
      %dma_start3A_259 = tpu.memref_slice %arg9[%dma_start3A_248, %dma_start3A_257, %dma_start3A_258] : memref<4x16x1024xf32, #tpu.memory_space<vmem>> -> memref<1x16x1024xf32, #tpu.memory_space<vmem>>
      %dma_start3A_260 = tpu.memref_squeeze %dma_start3A_259 : memref<1x16x1024xf32, #tpu.memory_space<vmem>> -> memref<16x1024xf32, #tpu.memory_space<vmem>>
      tpu.enqueue_dma source(%dma_start3A_260 : memref<16x1024xf32, #tpu.memory_space<vmem>>) target(%dma_start3A_256 : memref<16x1024xf32, #tpu.memory_space<hbm>>) target_semaphore(%arg17 : memref<!tpu.dma_semaphore, #tpu.memory_space<semaphore_mem>>)
      %add3A_261 = arith.constant 2 : i32
      %add3A_262 = arith.addi %add3A_228, %add3A_261 : i32
      %lt3A_263 = arith.constant 64 : i32
      %lt3A_264 = arith.cmpi slt, %add3A_262, %lt3A_263 : i32
      %convert_element_type3A_265 = arith.extui %lt3A_264 : i1 to i32
      %cond3A_266 = arith.constant 0 : i32
      %cond3A_267 = arith.cmpi ne, %convert_element_type3A_265, %cond3A_266 : i32
      scf.if %cond3A_267 {
        %ge3A = arith.constant 2 : i32
        %ge3A_268 = arith.cmpi sge, %add3A_228, %ge3A : i32
        %convert_element_type3A_269 = arith.extui %ge3A_268 : i1 to i32
        %cond3A_270 = arith.constant 0 : i32
        %cond3A_271 = arith.cmpi ne, %convert_element_type3A_269, %cond3A_270 : i32
        scf.if %cond3A_271 {
          %dma_wait3A_286 = arith.constant 1 : i32
          %dma_wait3A_287 = arith.constant 0 : i32
          %dma_wait3A_288 = arith.constant 0 : i32
          %dma_wait3A_289 = tpu.memref_slice %arg9[%dma_wait3A_286, %dma_wait3A_287, %dma_wait3A_288] : memref<4x16x1024xf32, #tpu.memory_space<vmem>> -> memref<1x16x1024xf32, #tpu.memory_space<vmem>>
          %dma_wait3A_290 = tpu.memref_squeeze %dma_wait3A_289 : memref<1x16x1024xf32, #tpu.memory_space<vmem>> -> memref<16x1024xf32, #tpu.memory_space<vmem>>
          %dma_wait3A_291 = arith.constant 0 : i32
          %dma_wait3A_292 = tpu.memref_slice %arg5[%mul3A_2, %dma_wait3A_291] : memref<32768x1024xf32, #tpu.memory_space<hbm>> -> memref<16x1024xf32, #tpu.memory_space<hbm>>
          %dma_wait3A_293 = arith.constant 0 : i32
          %dma_wait3A_294 = tpu.memref_slice %arg5[%mul3A_2, %dma_wait3A_293] : memref<32768x1024xf32, #tpu.memory_space<hbm>> -> memref<16x1024xf32, #tpu.memory_space<hbm>>
          %dma_wait3A_295 = arith.constant 0 : i32
          %dma_wait3A_296 = arith.constant 0 : i32
          %dma_wait3A_297 = tpu.memref_slice %arg9[%dma_wait3A_286, %dma_wait3A_295, %dma_wait3A_296] : memref<4x16x1024xf32, #tpu.memory_space<vmem>> -> memref<1x16x1024xf32, #tpu.memory_space<vmem>>
          %dma_wait3A_298 = tpu.memref_squeeze %dma_wait3A_297 : memref<1x16x1024xf32, #tpu.memory_space<vmem>> -> memref<16x1024xf32, #tpu.memory_space<vmem>>
          tpu.wait_dma2 semaphore(%arg15 : memref<!tpu.dma_semaphore, #tpu.memory_space<semaphore_mem>>) src(%dma_wait3A_298 : memref<16x1024xf32, #tpu.memory_space<vmem>>) dst(%dma_wait3A_294 : memref<16x1024xf32, #tpu.memory_space<hbm>>)
        } else {
        }
        %add3A_272 = arith.constant 2 : i32
        %add3A_273 = arith.addi %add3A_228, %add3A_272 : i32
        %mul3A_274 = arith.constant 16 : i32
        %mul3A_275 = arith.muli %add3A_273, %mul3A_274 : i32
        %multiple_of3A_276 = tpu.assume_multiple %mul3A_275, 16 : i32
        %dma_start3A_277 = arith.constant 1 : i32
        %dma_start3A_278 = arith.constant 0 : i32
        %dma_start3A_279 = arith.constant 0 : i32
        %dma_start3A_280 = tpu.memref_slice %arg9[%dma_start3A_277, %dma_start3A_278, %dma_start3A_279] : memref<4x16x1024xf32, #tpu.memory_space<vmem>> -> memref<1x16x1024xf32, #tpu.memory_space<vmem>>
        %dma_start3A_281 = tpu.memref_squeeze %dma_start3A_280 : memref<1x16x1024xf32, #tpu.memory_space<vmem>> -> memref<16x1024xf32, #tpu.memory_space<vmem>>
        %dma_start3A_282 = tpu.memref_slice %arg8[%multiple_of3A_276] : memref<1024xi32, #tpu.memory_space<vmem>> -> memref<16xi32, #tpu.memory_space<vmem>>
        %dma_start3A_283 = arith.constant 0 : i32
        %dma_start3A_284 = arith.constant 0 : i32
        %dma_start3A_285 = tpu.memref_slice %arg2[%dma_start3A_283, %dma_start3A_284] : memref<32768x1024xf32, #tpu.memory_space<hbm>> -> memref<32768x1024xf32, #tpu.memory_space<hbm>>
        tpu.enqueue_indirect_dma source(%dma_start3A_285 : memref<32768x1024xf32, #tpu.memory_space<hbm>>) target(%dma_start3A_281 : memref<16x1024xf32, #tpu.memory_space<vmem>>) offsets(%dma_start3A_282 : memref<16xi32, #tpu.memory_space<vmem>>) semaphore(%arg11 : memref<!tpu.dma_semaphore, #tpu.memory_space<semaphore_mem>>)
      } else {
      }
    }
    %scan3A_45 = arith.constant 16 : i32
    %dma_wait3A_46 = arith.constant 0 : i32
    %dma_wait3A_47 = arith.constant 0 : i32
    %dma_wait3A_48 = arith.constant 0 : i32
    %dma_wait3A_49 = tpu.memref_slice %arg9[%dma_wait3A_46, %dma_wait3A_47, %dma_wait3A_48] : memref<4x16x1024xf32, #tpu.memory_space<vmem>> -> memref<1x16x1024xf32, #tpu.memory_space<vmem>>
    %dma_wait3A_50 = tpu.memref_squeeze %dma_wait3A_49 : memref<1x16x1024xf32, #tpu.memory_space<vmem>> -> memref<16x1024xf32, #tpu.memory_space<vmem>>
    %dma_wait3A_51 = arith.constant 0 : i32
    %dma_wait3A_52 = tpu.memref_slice %arg5[%mul3A_2, %dma_wait3A_51] : memref<32768x1024xf32, #tpu.memory_space<hbm>> -> memref<16x1024xf32, #tpu.memory_space<hbm>>
    %dma_wait3A_53 = arith.constant 0 : i32
    %dma_wait3A_54 = tpu.memref_slice %arg5[%mul3A_2, %dma_wait3A_53] : memref<32768x1024xf32, #tpu.memory_space<hbm>> -> memref<16x1024xf32, #tpu.memory_space<hbm>>
    %dma_wait3A_55 = arith.constant 0 : i32
    %dma_wait3A_56 = arith.constant 0 : i32
    %dma_wait3A_57 = tpu.memref_slice %arg9[%dma_wait3A_46, %dma_wait3A_55, %dma_wait3A_56] : memref<4x16x1024xf32, #tpu.memory_space<vmem>> -> memref<1x16x1024xf32, #tpu.memory_space<vmem>>
    %dma_wait3A_58 = tpu.memref_squeeze %dma_wait3A_57 : memref<1x16x1024xf32, #tpu.memory_space<vmem>> -> memref<16x1024xf32, #tpu.memory_space<vmem>>
    tpu.wait_dma2 semaphore(%arg14 : memref<!tpu.dma_semaphore, #tpu.memory_space<semaphore_mem>>) src(%dma_wait3A_58 : memref<16x1024xf32, #tpu.memory_space<vmem>>) dst(%dma_wait3A_54 : memref<16x1024xf32, #tpu.memory_space<hbm>>)
    %dma_wait3A_59 = arith.constant 1 : i32
    %dma_wait3A_60 = arith.constant 0 : i32
    %dma_wait3A_61 = arith.constant 0 : i32
    %dma_wait3A_62 = tpu.memref_slice %arg9[%dma_wait3A_59, %dma_wait3A_60, %dma_wait3A_61] : memref<4x16x1024xf32, #tpu.memory_space<vmem>> -> memref<1x16x1024xf32, #tpu.memory_space<vmem>>
    %dma_wait3A_63 = tpu.memref_squeeze %dma_wait3A_62 : memref<1x16x1024xf32, #tpu.memory_space<vmem>> -> memref<16x1024xf32, #tpu.memory_space<vmem>>
    %dma_wait3A_64 = arith.constant 0 : i32
    %dma_wait3A_65 = tpu.memref_slice %arg5[%mul3A_2, %dma_wait3A_64] : memref<32768x1024xf32, #tpu.memory_space<hbm>> -> memref<16x1024xf32, #tpu.memory_space<hbm>>
    %dma_wait3A_66 = arith.constant 0 : i32
    %dma_wait3A_67 = tpu.memref_slice %arg5[%mul3A_2, %dma_wait3A_66] : memref<32768x1024xf32, #tpu.memory_space<hbm>> -> memref<16x1024xf32, #tpu.memory_space<hbm>>
    %dma_wait3A_68 = arith.constant 0 : i32
    %dma_wait3A_69 = arith.constant 0 : i32
    %dma_wait3A_70 = tpu.memref_slice %arg9[%dma_wait3A_59, %dma_wait3A_68, %dma_wait3A_69] : memref<4x16x1024xf32, #tpu.memory_space<vmem>> -> memref<1x16x1024xf32, #tpu.memory_space<vmem>>
    %dma_wait3A_71 = tpu.memref_squeeze %dma_wait3A_70 : memref<1x16x1024xf32, #tpu.memory_space<vmem>> -> memref<16x1024xf32, #tpu.memory_space<vmem>>
    tpu.wait_dma2 semaphore(%arg15 : memref<!tpu.dma_semaphore, #tpu.memory_space<semaphore_mem>>) src(%dma_wait3A_71 : memref<16x1024xf32, #tpu.memory_space<vmem>>) dst(%dma_wait3A_67 : memref<16x1024xf32, #tpu.memory_space<hbm>>)
    %dma_wait3A_72 = arith.constant 2 : i32
    %dma_wait3A_73 = arith.constant 0 : i32
    %dma_wait3A_74 = arith.constant 0 : i32
    %dma_wait3A_75 = tpu.memref_slice %arg9[%dma_wait3A_72, %dma_wait3A_73, %dma_wait3A_74] : memref<4x16x1024xf32, #tpu.memory_space<vmem>> -> memref<1x16x1024xf32, #tpu.memory_space<vmem>>
    %dma_wait3A_76 = tpu.memref_squeeze %dma_wait3A_75 : memref<1x16x1024xf32, #tpu.memory_space<vmem>> -> memref<16x1024xf32, #tpu.memory_space<vmem>>
    %dma_wait3A_77 = arith.constant 0 : i32
    %dma_wait3A_78 = tpu.memref_slice %arg5[%mul3A_2, %dma_wait3A_77] : memref<32768x1024xf32, #tpu.memory_space<hbm>> -> memref<16x1024xf32, #tpu.memory_space<hbm>>
    %dma_wait3A_79 = arith.constant 0 : i32
    %dma_wait3A_80 = tpu.memref_slice %arg5[%mul3A_2, %dma_wait3A_79] : memref<32768x1024xf32, #tpu.memory_space<hbm>> -> memref<16x1024xf32, #tpu.memory_space<hbm>>
    %dma_wait3A_81 = arith.constant 0 : i32
    %dma_wait3A_82 = arith.constant 0 : i32
    %dma_wait3A_83 = tpu.memref_slice %arg9[%dma_wait3A_72, %dma_wait3A_81, %dma_wait3A_82] : memref<4x16x1024xf32, #tpu.memory_space<vmem>> -> memref<1x16x1024xf32, #tpu.memory_space<vmem>>
    %dma_wait3A_84 = tpu.memref_squeeze %dma_wait3A_83 : memref<1x16x1024xf32, #tpu.memory_space<vmem>> -> memref<16x1024xf32, #tpu.memory_space<vmem>>
    tpu.wait_dma2 semaphore(%arg16 : memref<!tpu.dma_semaphore, #tpu.memory_space<semaphore_mem>>) src(%dma_wait3A_84 : memref<16x1024xf32, #tpu.memory_space<vmem>>) dst(%dma_wait3A_80 : memref<16x1024xf32, #tpu.memory_space<hbm>>)
    %dma_wait3A_85 = arith.constant 3 : i32
    %dma_wait3A_86 = arith.constant 0 : i32
    %dma_wait3A_87 = arith.constant 0 : i32
    %dma_wait3A_88 = tpu.memref_slice %arg9[%dma_wait3A_85, %dma_wait3A_86, %dma_wait3A_87] : memref<4x16x1024xf32, #tpu.memory_space<vmem>> -> memref<1x16x1024xf32, #tpu.memory_space<vmem>>
    %dma_wait3A_89 = tpu.memref_squeeze %dma_wait3A_88 : memref<1x16x1024xf32, #tpu.memory_space<vmem>> -> memref<16x1024xf32, #tpu.memory_space<vmem>>
    %dma_wait3A_90 = arith.constant 0 : i32
    %dma_wait3A_91 = tpu.memref_slice %arg5[%mul3A_2, %dma_wait3A_90] : memref<32768x1024xf32, #tpu.memory_space<hbm>> -> memref<16x1024xf32, #tpu.memory_space<hbm>>
    %dma_wait3A_92 = arith.constant 0 : i32
    %dma_wait3A_93 = tpu.memref_slice %arg5[%mul3A_2, %dma_wait3A_92] : memref<32768x1024xf32, #tpu.memory_space<hbm>> -> memref<16x1024xf32, #tpu.memory_space<hbm>>
    %dma_wait3A_94 = arith.constant 0 : i32
    %dma_wait3A_95 = arith.constant 0 : i32
    %dma_wait3A_96 = tpu.memref_slice %arg9[%dma_wait3A_85, %dma_wait3A_94, %dma_wait3A_95] : memref<4x16x1024xf32, #tpu.memory_space<vmem>> -> memref<1x16x1024xf32, #tpu.memory_space<vmem>>
    %dma_wait3A_97 = tpu.memref_squeeze %dma_wait3A_96 : memref<1x16x1024xf32, #tpu.memory_space<vmem>> -> memref<16x1024xf32, #tpu.memory_space<vmem>>
    tpu.wait_dma2 semaphore(%arg17 : memref<!tpu.dma_semaphore, #tpu.memory_space<semaphore_mem>>) src(%dma_wait3A_97 : memref<16x1024xf32, #tpu.memory_space<vmem>>) dst(%dma_wait3A_93 : memref<16x1024xf32, #tpu.memory_space<hbm>>)
    return
  }
}

module attributes {stable_mosaic.version = 14 : i64} {
  func.func @_mask_body(%arg0: i32, %arg1: memref<2048x1024xf32, #tpu.memory_space<vmem>>, %arg2: memref<2048x1xi32, #tpu.memory_space<vmem>>, %arg3: memref<1x1x2xi32, #tpu.memory_space<vmem>>, %arg4: memref<1xi32, #tpu.memory_space<smem>>) attributes {dimension_semantics = [#tpu.dimension_semantics<arbitrary>], iteration_bounds = array<i64: 16>, scalar_prefetch = 0 : i64, scratch_operands = 1 : i64, tpu.core_type = #tpu.core_type<tc>, window_params = [{transform_indices = @transform_0, window_bounds = array<i64: 2048, 1024>}, {transform_indices = @transform_1, window_bounds = array<i64: 2048, 1>}, {transform_indices = @transform_2, window_bounds = array<i64: 1, 1, 2>}]} {
    %eq3A = arith.constant 0 : i32
    %eq3A_0 = arith.cmpi eq, %arg0, %eq3A : i32
    %convert_element_type3A = arith.extui %eq3A_0 : i1 to i32
    %cond3A = arith.constant 0 : i32
    %cond3A_1 = arith.cmpi ne, %convert_element_type3A, %cond3A : i32
    scf.if %cond3A_1 {
      %swap3A_34 = arith.constant 0 : i32
      %swap3A_35 = arith.constant 0 : index
      %swap3A_36 = memref.load %arg4[%swap3A_35] : memref<1xi32, #tpu.memory_space<smem>>
      memref.store %swap3A_34, %arg4[%swap3A_35] : memref<1xi32, #tpu.memory_space<smem>>
    } else {
    }
    %get3A = arith.constant 0 : index
    %get3A_2 = arith.constant 0 : index
    %get3A_3 = vector.load %arg1[%get3A, %get3A_2] : memref<2048x1024xf32, #tpu.memory_space<vmem>>, vector<2048x1024xf32>
    %mul3A = arith.constant 0.000000e+00 : f32
    %mul3A_4 = vector.broadcast %mul3A : f32 to vector<2048x1024xf32>
    %mul3A_5 = arith.mulf %get3A_3, %mul3A_4 : vector<2048x1024xf32>
    %broadcast_in_dim3A = arith.constant 1.000000e+00 : f32
    %broadcast_in_dim3A_6 = vector.broadcast %broadcast_in_dim3A : f32 to vector<1024x1xf32>
    %dot_general3A = arith.constant dense<0.000000e+00> : vector<2048x1xf32>
    %dot_general3A_7 = tpu.matmul %mul3A_5, %broadcast_in_dim3A_6, %dot_general3A {dimension_numbers = #tpu.dot_dimension_numbers<[1], [0], [0], [1], [0, 0, 1, 1], [], []>, transpose_lhs_hint = false} : vector<2048x1024xf32>, vector<1024x1xf32>, vector<2048x1xf32> -> vector<2048x1xf32>
    %eq3A_8 = arith.constant 0.000000e+00 : f32
    %eq3A_9 = vector.broadcast %eq3A_8 : f32 to vector<2048x1xf32>
    %eq3A_10 = arith.cmpf oeq, %dot_general3A_7, %eq3A_9 : vector<2048x1xf32>
    %convert_element_type3A_11 = arith.extui %eq3A_10 : vector<2048x1xi1> to vector<2048x1xi32>
    %swap3A = arith.constant 0 : index
    %swap3A_12 = arith.constant 0 : index
    %swap3A_13 = vector.load %arg2[%swap3A, %swap3A_12] : memref<2048x1xi32, #tpu.memory_space<vmem>>, vector<2048x1xi32>
    tpu.vector_store %arg2[%swap3A, %swap3A_12], %convert_element_type3A_11 {strides = array<i32>} : memref<2048x1xi32, #tpu.memory_space<vmem>>, vector<2048x1xi32>,
    %get3A_14 = arith.constant 0 : index
    %get3A_15 = memref.load %arg4[%get3A_14] : memref<1xi32, #tpu.memory_space<smem>>
    %slice3A = vector.extract_strided_slice %convert_element_type3A_11 {offsets = [0, 0], sizes = [1024, 1], strides = [1, 1]} : vector<2048x1xi32> to vector<1024x1xi32>
    %reduce_sum3A = vector.shape_cast %slice3A : vector<1024x1xi32> to vector<1x1024x1xi32>
    %reduce_sum3A_16 = arith.constant dense<0> : vector<1xi32>
    %reduce_sum3A_17 = vector.multi_reduction <add>, %reduce_sum3A, %reduce_sum3A_16 [1, 2] : vector<1x1024x1xi32> to vector<1xi32>
    %reduce_sum3A_18 = vector.shape_cast %reduce_sum3A_17 : vector<1xi32> to vector<1x1x1xi32>
    %reduce_sum3A_19 = vector.extract %reduce_sum3A_18[0, 0, 0] : i32 from vector<1x1x1xi32>
    %add3A = arith.addi %get3A_15, %reduce_sum3A_19 : i32
    %reduce_sum3A_20 = vector.shape_cast %convert_element_type3A_11 : vector<2048x1xi32> to vector<1x2048x1xi32>
    %reduce_sum3A_21 = arith.constant dense<0> : vector<1xi32>
    %reduce_sum3A_22 = vector.multi_reduction <add>, %reduce_sum3A_20, %reduce_sum3A_21 [1, 2] : vector<1x2048x1xi32> to vector<1xi32>
    %reduce_sum3A_23 = vector.shape_cast %reduce_sum3A_22 : vector<1xi32> to vector<1x1x1xi32>
    %reduce_sum3A_24 = vector.extract %reduce_sum3A_23[0, 0, 0] : i32 from vector<1x1x1xi32>
    %add3A_25 = arith.addi %get3A_15, %reduce_sum3A_24 : i32
    %stack3A = vector.broadcast %add3A : i32 to vector<1xi32>
    %stack3A_26 = vector.broadcast %add3A_25 : i32 to vector<1xi32>
    %stack3A_27 = tpu.concatenate %stack3A, %stack3A_26 in 0 : vector<1xi32>, vector<1xi32> -> vector<2xi32>
    %reshape3A = vector.shape_cast %stack3A_27 : vector<2xi32> to vector<1x1x2xi32>
    %swap3A_28 = arith.constant 0 : index
    %swap3A_29 = arith.constant 0 : index
    %swap3A_30 = arith.constant 0 : index
    %swap3A_31 = vector.load %arg3[%swap3A_28, %swap3A_29, %swap3A_30] : memref<1x1x2xi32, #tpu.memory_space<vmem>>, vector<1x1x2xi32>
    tpu.vector_store %arg3[%swap3A_28, %swap3A_29, %swap3A_30], %reshape3A {strides = array<i32>} : memref<1x1x2xi32, #tpu.memory_space<vmem>>, vector<1x1x2xi32>,
    %swap3A_32 = arith.constant 0 : index
    %swap3A_33 = memref.load %arg4[%swap3A_32] : memref<1xi32, #tpu.memory_space<smem>>
    memref.store %add3A_25, %arg4[%swap3A_32] : memref<1xi32, #tpu.memory_space<smem>>
    return
  }
  func.func @transform_0(%arg0: i32) -> (i32, i32) {
    %c0_i32 = arith.constant 0 : i32
    %c0_i32_0 = arith.constant 0 : i32
    return %arg0, %c0_i32 : i32, i32
  }
  func.func @transform_1(%arg0: i32) -> (i32, i32) {
    %c0_i32 = arith.constant 0 : i32
    %c0_i32_0 = arith.constant 0 : i32
    return %arg0, %c0_i32 : i32, i32
  }
  func.func @transform_2(%arg0: i32) -> (i32, i32, i32) {
    %c0_i32 = arith.constant 0 : i32
    %c0_i32_0 = arith.constant 0 : i32
    %c0_i32_1 = arith.constant 0 : i32
    return %arg0, %c0_i32, %c0_i32_0 : i32, i32, i32
  }
}

</mosaic_0001>

<sc_bundles>
// kernel: kernel.4.cloned.1.call-start
scs
__scs_entry_jumppad:
0x0: {  	(pc) =	sbr.rel $0x88, $3  }
0x1: {  	(tag) =	ssettag $0x0;
	lr =	simm.s32 $0x1  }
0x2: {  	[smem:$0x3FA0] =	sst lr;
	_ =	strace $0xD0000000  }
0x3: {  	_ = 	snop  }
0x4: {  	_ = 	snop  }
0x5: {  	_ = 	snop  }
0x6: {  	_ = 	snop  }
0x7: {  	_ = 	snop  }
__scs_overlays_trampoline_lowered:
0x8: {  	[smem:$0x3FAF] =	sst s0  }
0x9: {  	[smem:$0x3FB0] =	sst s1  }
0xa: {  	[smem:$0x3FB1] =	sst s2  }
0xb: {  	[smem:$0x3FB2] =	sst s3  }
0xc: {  	[smem:$0x3FB3] =	sst s4  }
0xd: {  	[smem:$0x3FB4] =	sst s5  }
0xe: {  	[smem:$0x3FB5] =	sst s6  }
0xf: {  	[smem:$0x3FB6] =	sst s7  }
0x10: {  	[smem:$0x3FB7] =	sst s8  }
0x11: {  	[smem:$0x3FB8] =	sst s9;
	s0 =	simm.s32 @!p0 $0x0  }
0x12: {  	s1 =	sld [smem:$0x3F9E];
	s0 =	simm.s32 @p0 $0x1  }
0x13: {  	[smem:$0x3FB9] =	sst s0;
	s0 =	simm.s32 @!p1 $0x0  }
0x14: {  	s2 =	sld [smem:$0x3F9D];
	s0 =	simm.s32 @p1 $0x1  }
0x15: {  	[smem:$0x3FBA] =	sst s0;
	s0 =	simm.s32 @!p2 $0x0  }
0x16: {  	s3 =	sld [smem:$0x3FDB];
	s0 =	simm.s32 @p2 $0x1  }
0x17: {  	s4 =	simm.s32 $0x1BF5;
	[smem:$0x3FBC] =	sst s0  }
0x18: {  	s0 =	sld [smem:$0x3F9F];
	_ =	swait.ge [sflag:s4], $0x0  }
0x19: {  	s7 =	sld [smem:$0x3FA0]  }
0x1a: {  	s8 =	sadd.s32 $0xFFFFE003, lr  }
0x1b: {  	s9 =	sadd.s32 $0xFFFFFEF7, lr;
	s5 =	simm.s32 $0xFFFFFFFF;
	p2 =	slt.u32 s8, $0xFFFFF086  }
0x1c: {  	p1 =	slt.u32 s9, $0xF7A;
	s5 =	simm.s32 @!p2 $0x0  }
0x1d: {  	s5 =	simm.s32 @p1 $0x1;
	p0 =	seq.s32 s7, s2  }
0x1e: {  	s7 =	smul.u32 @!p0 $0xF7A, s2;
	p2 =	seq.s32 @!p0 s5, $0x0  }
0x1f: {  	s9 =	smul.u32 $0xF7A, s1;
	s8 =	simm.s32 @!p0 $0x1BF5;
	p2 =	por !p2, p0  }
0x20: {  	[sflag:s8] =	ssyncset.s32 @!p0 $0xFFFFF086;
	s6 =	sadd.s32 @!p0 s3, s7;
	s7 =	simm.s32 @!p0 $0x108  }
0x21: {  	s3 =	sadd.s32 s3, s9;
	s6 =	sadd.s32 @!p0 $0x88, s6;
	s7 =	simm.s32 @p2 $0x1082  }
0x22: {  	[simem:s7], [sflag:s8] =	dma.local @!p0 [hbm:s6], $0xF7A  }
0x23: {  	s9 =	sor.u32 $0xD0000000, s2;
	s6 =	simm.s32 $0x108;
	_ =	swait.ge @!p0 [sflag:s8], $0x0  }
0x24: {  	s3 =	sadd.s32 $0x88, s3;
	s6 =	simm.s32 @!p1 $0x1082;
	[sflag:s4] =	ssyncset.s32 $0xFFFFF086  }
0x25: {  	[simem:s6], [sflag:s4] =	dma.local [hbm:s3], $0xF7A  }
0x26: {  	[smem:$0x3FA0] =	sst s1;
	(tag) =	ssettag s2;
	_ =	strace s9  }
0x27: {  	s1 =	sld [smem:$0x3FB0]  }
0x28: {  	s2 =	sld [smem:$0x3FB1]  }
0x29: {  	s4 =	sld [smem:$0x3FB3]  }
0x2a: {  	p0 =	seq.s32 s5, $0x0;
	s5 =	sld [smem:$0x3FB4]  }
0x2b: {  	s6 =	sld [smem:$0x3FB5]  }
0x2c: {  	s7 =	sld [smem:$0x3FB6]  }
0x2d: {  	s3 =	simm.s32 $0x108;
	s8 =	sld [smem:$0x3FB7]  }
0x2e: {  	s3 =	simm.s32 @!p0 $0x1082;
	s9 =	sld [smem:$0x3FB8]  }
0x2f: {  	lr =	sadd.s32 s0, s3;
	s0 =	sld [smem:$0x3FAF]  }
0x30: {  	s3 =	sld [smem:$0x3FB2]  }
0x31: {  	[smem:$0x3FBB] =	sst s10  }
0x32: {  	s10 =	sld [smem:$0x3FB9];
	_ =	sdelay $0x3  }
0x33: {  	p0 =	seq.s32 s10, $0x1;
	s10 =	sld [smem:$0x3FBB];
	_ =	sdelay $0x3  }
0x34: {  	[smem:$0x3FBB] =	sst s10  }
0x35: {  	s10 =	sld [smem:$0x3FBA];
	_ =	sdelay $0x3  }
0x36: {  	p1 =	seq.s32 s10, $0x1;
	s10 =	sld [smem:$0x3FBB];
	_ =	sdelay $0x3  }
0x37: {  	[smem:$0x3FBB] =	sst s10  }
0x38: {  	s10 =	sld [smem:$0x3FBC]  }
0x39: {  	_ = 	snop;
	(pc) =	sbr.ind lr, $3  }
0x3a: {  	_ = 	snop  }
0x3b: {  	_ = 	snop  }
0x3c: {  	p2 =	seq.s32 s10, $0x1;
	s10 =	sld [smem:$0x3FBB]  }
0x3d: {  	_ =	shalt  }
0x3e: {  	_ =	shalt  }
0x3f: {  	_ =	shalt  }
0x40: {  	_ =	shalt  }
0x41: {  	_ =	shalt  }
0x42: {  	_ =	shalt  }
0x43: {  	_ =	shalt  }
0x44: {  	_ =	shalt  }
0x45: {  	_ =	shalt  }
0x46: {  	_ =	shalt  }
0x47: {  	_ =	shalt  }
0x48: {  	_ =	shalt  }
0x49: {  	_ =	shalt  }
0x4a: {  	_ =	shalt  }
0x4b: {  	_ =	shalt  }
0x4c: {  	_ =	shalt  }
0x4d: {  	_ =	shalt  }
0x4e: {  	_ =	shalt  }
0x4f: {  	_ =	shalt  }
0x50: {  	_ =	shalt  }
0x51: {  	_ =	shalt  }
0x52: {  	_ =	shalt  }
0x53: {  	_ =	shalt  }
0x54: {  	_ =	shalt  }
0x55: {  	_ =	shalt  }
0x56: {  	_ =	shalt  }
0x57: {  	_ =	shalt  }
0x58: {  	_ =	shalt  }
0x59: {  	_ =	shalt  }
0x5a: {  	_ =	shalt  }
0x5b: {  	_ =	shalt  }
0x5c: {  	_ =	shalt  }
0x5d: {  	_ =	shalt  }
0x5e: {  	_ =	shalt  }
0x5f: {  	_ =	shalt  }
0x60: {  	_ =	shalt  }
0x61: {  	_ =	shalt  }
0x62: {  	_ =	shalt  }
0x63: {  	_ =	shalt  }
0x64: {  	_ =	shalt  }
0x65: {  	_ =	shalt  }
0x66: {  	_ =	shalt  }
0x67: {  	_ =	shalt  }
0x68: {  	_ =	shalt  }
0x69: {  	_ =	shalt  }
0x6a: {  	_ =	shalt  }
0x6b: {  	_ =	shalt  }
0x6c: {  	_ =	shalt  }
0x6d: {  	_ =	shalt  }
0x6e: {  	_ =	shalt  }
0x6f: {  	_ =	shalt  }
0x70: {  	_ =	shalt  }
0x71: {  	_ =	shalt  }
0x72: {  	_ =	shalt  }
0x73: {  	_ =	shalt  }
0x74: {  	_ =	shalt  }
0x75: {  	_ =	shalt  }
0x76: {  	_ =	shalt  }
0x77: {  	_ =	shalt  }
0x78: {  	_ =	shalt  }
0x79: {  	_ =	shalt  }
0x7a: {  	_ =	shalt  }
0x7b: {  	_ =	shalt  }
0x7c: {  	_ =	shalt  }
0x7d: {  	_ =	shalt  }
0x7e: {  	_ =	shalt  }
0x7f: {  	_ =	shalt  }
0x80: {  	_ =	shalt  }
0x81: {  	_ =	shalt  }
0x82: {  	_ =	shalt  }
0x83: {  	_ =	shalt  }
0x84: {  	_ =	shalt  }
0x85: {  	_ =	shalt  }
0x86: {  	_ =	shalt  }
0x87: {  	_ =	shalt  }
.Lfunc_end0:
.L_simem_size_0:
called_computation_lowered:
.L_overlay_start_0:
0x88: {  	s2 =	sld [smem:$0x3FD9]  }
0x89: {  	s3 =	sld [smem:$0x3FFE];
	_ =	sdelay $0x1  }
0x8a: {  	s1 =	srdreg.scid  }
0x8b: {  	s0 =	sand.u32 $0x1, s1  }
0x8c: {  	s17 =	sshll.u32 s0, $0xA;
	s2 =	sadd.s32 s3, s2  }
0x8d: {  	s2 =	sadd.s32 s2, s17  }
0x8e: {  	[smem:$0x3FC7] =	sst s2  }
0x8f: {  	_ = 	snop  }
0x90: {  	s2 =	sld [smem:$0x3FC9]  }
0x91: {  	s18 =	sld [smem:$0x3FD0];
	(tm) =	ssettm $0x1  }
0x92: {  	s4 =	sld [smem:$0x3FFB];
	_ =	sdelay $0x3  }
0x93: {  	_ =	strace s4  }
0x94: {  	s4 =	sld [smem:$0x3FFC];
	_ =	sdelay $0x3  }
0x95: {  	_ =	strace s4  }
0x96: {  	s4 =	sld [smem:$0x3FFD];
	_ =	sdelay $0x3  }
0x97: {  	_ =	strace s4  }
0x98: {  	_ =	strace $0x8FFFFFFF  }
0x99: {  	s19 =	sld [smem:$0x3FDB];
	_ =	sdelay $0x1  }
0x9a: {  	s5 =	simm.s32 $_scs_section_size  }
0x9b: {  	s6 =	simm.s32 $_size__tile_overlayer_lowered;
	s7 =	simm.s32 $_tile_overlayer_lowered  }
0x9c: {  	s22 =	simm.s32 $0x1BFF;
	s21 =	sshll.u32 s7, $0x1;
	s4 =	sadd.s32 s5, s19  }
0x9d: {  	s8 =	simm.s32 $0x0;
	s20 =	sshll.u32 s6, $0x1;
	s6 =	sadd.s32 s21, s4  }
0x9e: {  	[timem:s8], [sflag:s22] =	dma.local [hbm:s6], s20  }
0x9f: {  	_ =	swait.ge [sflag:s22], s20  }
0xa0: {  	s5 =	ssub.s32 $0x0, s20;
	[sflag:s22] =	ssyncset.done $0x0  }
0xa1: {  	[sflag:s22] =	ssyncadd.s32 s5;
	_ =	sdelay $0x1  }
0xa2: {  	s23 =	simm.s32 $0x1B8B  }
0xa3: {  	_ =	swait.ge [sflag:s23], $0x1  }
0xa4: {  	[sflag:s23] =	ssyncset.done $0x0  }
0xa5: {  	s25 =	simm.s32 $0x1B8E;
	s24 =	sld [smem:$0x3FFE];
	[sflag:s23] =	ssyncadd.s32 $0xFFFFFFFF  }
0xa6: {  	s26 =	simm.s32 $execute0_lowered;
	[smem:$0x3FD2] =	sst s25  }
0xa7: {  	s6 =	sshll.u32 s26, $0x1;
	_ =	strace $0x80000046;
	[dreg:$0x1] =	wrdreg $0xFFFFFFFF  }
0xa8: {  	s28 =	simm.s32 $_size_execute0_lowered;
	s4 =	sadd.s32 s4, s6;
	[dreg:$0x0] =	wrdreg $0x0  }
0xa9: {  	s6 =	sshll.u32 s28, $0x1;
	[dreg:$0x2] =	wrdreg s4  }
0xaa: {  	[dreg:$0x3] =	wrdreg s6  }
0xab: {  	[dreg:$0x4] =	wrdreg $0xC0  }
0xac: {  	_ =	task [dreg:s8], $0x5FFFF  }
0xad: {  	[dreg:$0x1] =	wrdreg $0xFFFFFFFF  }
0xae: {  	[dreg:$0x0] =	wrdreg $0x60  }
0xaf: {  	[dreg:$0x2] =	wrdreg s2  }
0xb0: {  	[dreg:$0x3] =	wrdreg s24  }
0xb1: {  	[dreg:$0x4] =	wrdreg s18  }
0xb2: {  	[dreg:$0x5] =	wrdreg $0x9  }
0xb3: {  	_ =	task.clear_ibuf [dreg:s8], $0x6FFFF;
	_ =	strace $0x90000046  }
0xb4: {  	s29 =	simm.s32 $0x9;
	_ =	strace $0x80000048  }
0xb5: {  	_ =	swait.ge [sflag:s29], $0x1  }
0xb6: {  	[sflag:s29] =	ssyncadd.s32 $0xFFFFFFFF  }
0xb7: {  	_ =	strace $0x90000048  }
0xb8: {  	_ =	sfence  }
0xb9: {  	s30 =	sld [smem:$0x0];
	_ =	sdelay $0x2  }
0xba: {  	s31 =	sshll.u32 s1, $0xD;
	s1 =	sshrl.u32 s1, $0x2  }
0xbb: {  	s3 =	sand.u32 $0x4000, s31;
	s1 =	sadd.s32 s1, s30  }
0xbc: {  	s0 =	sor.u32 s3, s0;
	s1 =	sshll.u32 s1, $0x11  }
0xbd: {  	s0 =	sor.u32 s1, s0  }
0xbe: {  	s0 =	sadd.s32 $0x8F2B, s0  }
0xbf: {  	[sflag:s0] =	ssyncadd.remote.s32 $0x1  }
0xc0: {  	_ =	sfence.sel $0xFFFF  }
0xc1: {  	[dreg:$0x0] =	wrdreg $0xFFFFFFFF;
	(pc) =	sbr.abs _section_cstart, $3  }
0xc2: {  	[dreg:$0x1] =	wrdreg $0xFFFFFFFF  }
0xc3: {  	_ =	task.clear_ibuf [dreg:s8], $0x2FFFF;
	_ =	strace $0x9FFFFFFF  }
0xc4: {  	(tm) =	ssettm $0x7FFFFFFF  }
0xc5: {  	_ =	shalt  }
tec
execute0_lowered:
.L_overlay_start_1:
0x0: {  	(tag) =	ssettag $0x1  }
0x1: {  	s1 =	rddreg [dreg:$0x0]  }
0x2: {  	s2 =	rddreg [dreg:$0x1]  }
0x3: {  	s0 =	rddreg [dreg:$0x2];
	s3 =	srdreg.scid;
	s4 =	simm.s32 $0x0  }
0x4: {  	s14 =	stileid.u32;
	s16 =	simm.s32 $0x9;
	s17 =	simm.s32 $0x80  }
0x5: {  	s18 =	simm.s32 $0x480;
	s19 =	simm.s32 $0x880;
	s28 =	simm.s32 $0x4880  }
0x6: {  	s29 =	simm.s32 $0x2;
	s30 =	simm.s32 $0xC880;
	s20 =	simm.s32 $0xF880  }
0x7: {  	s21 =	simm.s32 $0x10080;
	s22 =	simm.s32 $0x3;
	s23 =	simm.s32 $0x4  }
0x8: {  	s24 =	simm.s32 $0x5;
	s25 =	simm.s32 $0x6;
	s3 =	sand.u32 $0x1, s3  }
0x9: {  	[smem:$0x7FF] =	sst s4;
	s5 =	sshll.u32 s14, $0x1;
	s8 =	sadd.s32 $0x1000, s2  }
0xa: {  	s9 =	sadd.s32 $0x100, s1;
	s10 =	sadd.s32 $0x200, s1;
	s26 =	sshll.u32 s14, $0xB  }
0xb: {  	s14 =	sshll.u32 s14, $0x12;
	s6 =	ssub.s32 $0x2, s3;
	_ =	strace $0x80000047  }
0xc: {  	s5 =	sor.u32 s3, s5;
	[dreg:$0x4] =	wrdreg s8;
	s31 =	sshll.u32 s3, $0xA  }
0xd: {  	s3 =	sshll.u32 s3, $0x11;
	s7 =	sshrl.u32 s6, $0x1;
	s12 =	sshll.u32 s5, $0xA  }
0xe: {  	s8 =	ssub.s32 $0x20, s5;
	s11 =	sshll.u32 s5, $0x11;
	s6 =	ssub.s32 s6, s7  }
.Ltmp0:
0xf: {  	s7 =	sadd.s32 $0x400, s12;
	s13 =	sadd.s32 s11, s0;
	(pc) =	sbr.rel .LBB2_1-.Ltmp0, $4  }
0x10: {  	v2 =	vimm.s32 $0x0;
	s11 =	sadd.s32 $0x300, s1;
	s0 =	sadd.s32 s14, s0;
	v0 =	vmov s12;
	s13 =	sadd.s32 $0x1F800, s13  }
0x11: {  	vm0 =	vmmov $0xffff;
	s14 =	simm.s32 $0x8880;
	s6 =	smax.u32 s6, $0x1;
	v1 =	vxor.u32 $0xFFFFFFFF, v0;
	v0 =	vlaneseq.u32;
	[dreg:$0x5] =	wrdreg s13  }
0x12: {  	v6 =	vmov s5;
	s15 =	sadd.s32 s3, s0;
	[dreg:$0x6] =	wrdreg s6;
	s6 =	sor.u32 s31, s26;
	v1 =	vbroadcast v1, $0x0;
	v4 =	vshrl.u32 v0, $0x3  }
0x13: {  	s13 =	simm.s32 $0x1;
	v3 =	vand.u32 $0x7, v0;
	v5 =	vor.u32 $0x8, v0;
	[dreg:$0x7] =	wrdreg s6;
	v4 =	vmul.u32 $0x8, v4;
	s6 =	simm.s32 $0x0  }
.LBB2_10:
0x14: {  	_ =	swait.ge [sflag:s23], $0x4000  }
0x15: {  	[sflag:s23] =	ssyncset.done $0x0  }
0x16: {  	s0 =	rddreg [dreg:$0x5];
	[sflag:s23] =	ssyncadd.s32 $0xFFFFC000  }
0x17: {  	[hbm4b:s0+s4] =	stream.linear.scatter [tilespmem:s30], [sflag:$0x8], $0x4000, $0x38;
	[tilespmem:$0x10880] =	vst v63  }
0x18: {  	_ =	swait.ge [sflag:s24], $0x4000  }
0x19: {  	[sflag:s24] =	ssyncset.done $0x0  }
0x1a: {  	[sflag:s24] =	ssyncadd.s32 $0xFFFFC000  }
0x1b: {  	_ =	swait.ge [sflag:s25], $0x4000  }
0x1c: {  	[sflag:s25] =	ssyncset.done $0x0  }
0x1d: {  	s26 =	simm.s32 $0x7;
	[sflag:s25] =	ssyncadd.s32 $0xFFFFC000  }
0x1e: {  	_ =	swait.ge [sflag:s26], $0x4000  }
0x1f: {  	[sflag:s26] =	ssyncset.done $0x0  }
0x20: {  	s3 =	simm.s32 $0x8;
	[sflag:s26] =	ssyncadd.s32 $0xFFFFC000  }
0x21: {  	_ =	swait.ge [sflag:s3], $0x4000  }
0x22: {  	s6 =	rddreg [dreg:$0x8]  }
0x23: {  	s31 =	rddreg [dreg:$0x6];
	s6 =	sadd.s32 $0x1, s6  }
0x24: {  	p0 =	sne.s32 s6, s31  }
.Ltmp1:
0x25: {  	_ = 	snop;
	(pc) =	sbr.rel @!p0 .LBB2_11-.Ltmp1, $3  }
0x26: {  	_ =	sdelay $0x1  }
0x27: {  	[sflag:s3] =	ssyncset.done $0x0  }
0x28: {  	[sflag:s3] =	ssyncadd.s32 $0xFFFFC000  }
.LBB2_1:
0x29: {  	[dreg:$0x8] =	wrdreg s6  }
0x2a: {  	s0 =	rddreg [dreg:$0x4]  }
0x2b: {  	[tilespmem:s4], [sflag:$0x9] =	stream.linear.gather [hbm4b:s0+s4], $0x21, $0x38;
	[tilespmem:$0x10880] =	vst v63  }
0x2c: {  	_ =	swait.ge [sflag:s16], $0x21  }
0x2d: {  	[sflag:s16] =	ssyncset.done $0x0  }
0x2e: {  	s3 =	simm.s32 $0x0;
	s0 =	simm.s32 $0x40;
	[sflag:s16] =	ssyncadd.s32 $0xFFFFFFDF  }
.LBB2_2:
0x2f: {  	p0 =	sne.s32 s0, $0xFC0;
	[tilespmem:s3+$0x480] =	vst v2;
	s3 =	smov.u32 s0;
	s0 =	sadd.s32 $0x40, s0  }
.Ltmp2:
0x30: {  	(pc) =	sbr.rel @p0 .LBB2_2-.Ltmp2, $2  }
0x31: {  	_ =	sdelay $0x2  }
0x32: {  	s3 =	sshra.s32 s3, $0x2  }
0x33: {  	[tilespmem:s3+$0x480] =	vst v2;
	s26 =	simm.s32 $0x0;
	s3 =	rddreg [dreg:$0x7];
	s0 =	simm.s32 $0x0  }
.LBB2_4:
0x34: {  	s6 =	sadd.s32 s5, s0  }
0x35: {  	s6 =	sshll.u32 s6, $0x7  }
0x36: {  	s6 =	sand.u32 $0x1FFFFF80, s6  }
0x37: {  	s6 =	sadd.s32 s2, s6  }
0x38: {  	[tilespmem:s17], [sflag:$0x9] =	stream.linear.gather [hbm4b:s6+s26], $0x400, $0x38;
	[tilespmem:$0x10880] =	vst v63  }
0x39: {  	_ =	swait.ge [sflag:s16], $0x400  }
0x3a: {  	[sflag:s16] =	ssyncset.done $0x0  }
0x3b: {  	[sflag:s16] =	ssyncadd.s32 $0xFFFFFC00  }
0x3c: {  	v7 =	vld.idx.msk [tilespmem:v6+s0+$0x0 ss:$0x1], $0xffff;
	_ =	sdelay $0x4  }
0x3d: {  	(v2sf) =	vpush v7, $0x0;
	_ =	sdelay $0x2  }
0x3e: {  	s12 =	simm.s32 $0x0  }
0x3f: {  	v8 =	vld [tilespmem:s12+$0x80];
	_ =	sdelay $0x4  }
0x40: {  	(xrf0) =	vadd.scan.msk.s32 $0xffff, v8;
	_ =	sdelay $0x5  }
0x41: {  	v9, _, _ =	vpop (xrf0);
	s12 =	spop (v2sf)  }
0x42: {  	v9 =	vadd.s32 s12, v9  }
0x43: {  	v10 =	vadd.s32 v1, v9;
	(v2sf) =	vpush v9, $0xF  }
0x44: {  	vm1 =	vgt.s32 v8, $0x0;
	vm2 =	vlt.u32 v10, $0x400  }
0x45: {  	vm1 =	vmand vm1, vm2;
	_ =	sdelay $0x4  }
0x46: {  	v8 =	vor.u32 s3, v0  }
0x47: {  	s31 =	smov.u32 s3;
	s6 =	simm.s32 $0x80;
	s12 =	simm.s32 $0x10;
	[tilespmem:v10+s18+$0x0] =	vst.idx.msk vm1, v8  }
.LBB2_5:
0x48: {  	p0 =	sne.s32 s6, $0xFC0;
	v8 =	vld [tilespmem:s12+$0x80];
	_ =	sdelay $0x4  }
0x49: {  	(xrf0) =	vadd.scan.msk.s32 $0xffff, v8  }
0x4a: {  	s12 =	spop (v2sf);
	_ =	sdelay $0x4  }
0x4b: {  	v9, _, _ =	vpop (xrf0)  }
0x4c: {  	v9 =	vadd.s32 s12, v9  }
0x4d: {  	v10 =	vadd.s32 v1, v9;
	(v2sf) =	vpush v9, $0xF  }
0x4e: {  	vm1 =	vgt.s32 v8, $0x0;
	vm2 =	vlt.u32 v10, $0x400  }
0x4f: {  	vm1 =	vmand vm1, vm2;
	_ =	sdelay $0x1  }
.Ltmp3:
0x50: {  	(pc) =	sbr.rel @p0 .LBB2_5-.Ltmp3, $4  }
0x51: {  	_ = 	snop  }
0x52: {  	s31 =	sadd.s32 $0x10, s31  }
0x53: {  	v8 =	vor.u32 s31, v0  }
0x54: {  	s12 =	sshra.s32 s6, $0x2;
	s6 =	sadd.s32 $0x40, s6;
	[tilespmem:v10+s18+$0x0] =	vst.idx.msk vm1, v8  }
0x55: {  	v8 =	vld [tilespmem:s12+$0x80];
	_ =	sdelay $0x4  }
0x56: {  	(xrf0) =	vadd.scan.msk.s32 $0xffff, v8;
	_ =	sdelay $0x5  }
0x57: {  	s6 =	spop (v2sf);
	v9, _, _ =	vpop (xrf0)  }
0x58: {  	v9 =	vadd.s32 s6, v9  }
0x59: {  	(v2sf) =	vpush v9, $0xF  }
0x5a: {  	(v2sf) =	vpush v7, $0x1;
	_ =	sdelay $0xd  }
0x5b: {  	s0 =	sadd.s32 $0x1, s0;
	v7 =	vadd.s32 v1, v9;
	s12 =	spop (v2sf)  }
0x5c: {  	p0 =	sge.u32 s0, s8;
	vm1 =	vgt.s32 v8, $0x0;
	vm2 =	vlt.u32 v7, $0x400;
	s6 =	spop (v2sf)  }
0x5d: {  	vm1 =	vmand vm1, vm2;
	p1 =	slt.s32 @!p0 s6, s7  }
0x5e: {  	p0 =	por p0, !p1  }
.Ltmp4:
0x5f: {  	_ = 	snop;
	(pc) =	sbr.rel @!p0 .LBB2_4-.Ltmp4, $4  }
0x60: {  	_ = 	snop  }
0x61: {  	s31 =	sadd.s32 $0x10, s31  }
0x62: {  	v8 =	vor.u32 s31, v0  }
0x63: {  	s3 =	sadd.s32 $0x400, s3;
	[tilespmem:v7+s18+$0x0] =	vst.idx.msk vm1, v8  }
0x64: {  	v7 =	vld [tilespmem:$0x480];
	_ =	sdelay $0x4  }
0x65: {  	v8 =	vshll.u32 v7, $0x3  }
0x66: {  	v7 =	vand.u32 $0x7, v7;
	v8 =	vand.u32 $0xFFFFFFC0, v8  }
0x67: {  	v7 =	vor.u32 v7, v8  }
0x68: {  	v8 =	vperm.xlane v7, v3;
	_ =	sdelay $0x1  }
0x69: {  	v8 =	vadd.s32 v4, v8;
	_ =	sdelay $0x3  }
0x6a: {  	s26 =	simm.s32 $0x0  }
0x6b: {  	[tilespmem:s19], [sflag:$0x1] =	stream.indirect_vreg.gather [hbm4b:s1+s26], $0x80, v8, vm0, $0xb8;
	[tilespmem:$0x10880] =	vst v63  }
0x6c: {  	s6 =	simm.s32 $0x1080;
	v7 =	vperm.xlane v7, v5  }
0x6d: {  	[tilespmem:s6], [sflag:$0x1] =	stream.indirect_vreg.gather [hbm4b:s9+s26], $0x80, v8, vm0, $0xb8;
	[tilespmem:$0x10880] =	vst v63  }
0x6e: {  	s12 =	simm.s32 $0x1880;
	v7 =	vadd.s32 v4, v7  }
0x6f: {  	[tilespmem:s12], [sflag:$0x1] =	stream.indirect_vreg.gather [hbm4b:s10+s26], $0x80, v8, vm0, $0xb8;
	[tilespmem:$0x10880] =	vst v63  }
0x70: {  	s0 =	simm.s32 $0x2080  }
0x71: {  	[tilespmem:s0], [sflag:$0x1] =	stream.indirect_vreg.gather [hbm4b:s11+s26], $0x80, v8, vm0, $0xb8;
	[tilespmem:$0x10880] =	vst v63  }
0x72: {  	s3 =	simm.s32 $0x2880  }
0x73: {  	[tilespmem:s3], [sflag:$0x1] =	stream.indirect_vreg.gather [hbm4b:s1+s26], $0x80, v7, vm0, $0xb8;
	[tilespmem:$0x10880] =	vst v63  }
0x74: {  	s3 =	simm.s32 $0x3080  }
0x75: {  	[tilespmem:s3], [sflag:$0x1] =	stream.indirect_vreg.gather [hbm4b:s9+s26], $0x80, v7, vm0, $0xb8;
	[tilespmem:$0x10880] =	vst v63  }
0x76: {  	s3 =	simm.s32 $0x3880  }
0x77: {  	[tilespmem:s3], [sflag:$0x1] =	stream.indirect_vreg.gather [hbm4b:s10+s26], $0x80, v7, vm0, $0xb8;
	[tilespmem:$0x10880] =	vst v63  }
0x78: {  	s3 =	simm.s32 $0x4080  }
0x79: {  	[tilespmem:s3], [sflag:$0x1] =	stream.indirect_vreg.gather [hbm4b:s11+s26], $0x80, v7, vm0, $0xb8;
	[tilespmem:$0x10880] =	vst v63  }
0x7a: {  	v7 =	vld [tilespmem:$0x490];
	_ =	sdelay $0x4  }
0x7b: {  	v8 =	vshll.u32 v7, $0x3  }
0x7c: {  	v7 =	vand.u32 $0x7, v7;
	v8 =	vand.u32 $0xFFFFFFC0, v8  }
0x7d: {  	v7 =	vor.u32 v7, v8  }
0x7e: {  	v8 =	vperm.xlane v7, v3;
	_ =	sdelay $0x1  }
0x7f: {  	v8 =	vadd.s32 v4, v8;
	_ =	sdelay $0x4  }
0x80: {  	[tilespmem:s28], [sflag:$0x2] =	stream.indirect_vreg.gather [hbm4b:s1+s26], $0x80, v8, vm0, $0xb8;
	[tilespmem:$0x10880] =	vst v63  }
0x81: {  	s3 =	simm.s32 $0x5080;
	v7 =	vperm.xlane v7, v5  }
0x82: {  	[tilespmem:s3], [sflag:$0x2] =	stream.indirect_vreg.gather [hbm4b:s9+s26], $0x80, v8, vm0, $0xb8;
	[tilespmem:$0x10880] =	vst v63  }
0x83: {  	v7 =	vadd.s32 v4, v7;
	s3 =	simm.s32 $0x5880  }
0x84: {  	[tilespmem:s3], [sflag:$0x2] =	stream.indirect_vreg.gather [hbm4b:s10+s26], $0x80, v8, vm0, $0xb8;
	[tilespmem:$0x10880] =	vst v63  }
0x85: {  	s3 =	simm.s32 $0x6080  }
0x86: {  	[tilespmem:s3], [sflag:$0x2] =	stream.indirect_vreg.gather [hbm4b:s11+s26], $0x80, v8, vm0, $0xb8;
	[tilespmem:$0x10880] =	vst v63  }
0x87: {  	s3 =	simm.s32 $0x6880  }
0x88: {  	[tilespmem:s3], [sflag:$0x2] =	stream.indirect_vreg.gather [hbm4b:s1+s26], $0x80, v7, vm0, $0xb8;
	[tilespmem:$0x10880] =	vst v63  }
0x89: {  	s3 =	simm.s32 $0x7080  }
0x8a: {  	[tilespmem:s3], [sflag:$0x2] =	stream.indirect_vreg.gather [hbm4b:s9+s26], $0x80, v7, vm0, $0xb8;
	[tilespmem:$0x10880] =	vst v63  }
0x8b: {  	s3 =	simm.s32 $0x7880  }
0x8c: {  	[tilespmem:s3], [sflag:$0x2] =	stream.indirect_vreg.gather [hbm4b:s10+s26], $0x80, v7, vm0, $0xb8;
	[tilespmem:$0x10880] =	vst v63  }
0x8d: {  	s31 =	simm.s32 $0x4B0;
	s3 =	simm.s32 $0x8080  }
0x8e: {  	[tilespmem:s3], [sflag:$0x2] =	stream.indirect_vreg.gather [hbm4b:s11+s26], $0x80, v7, vm0, $0xb8;
	[tilespmem:$0x10880] =	vst v63  }
.LBB2_8:
0x8f: {  	_ =	swait.ge [sflag:s13], $0x4000  }
0x90: {  	p0 =	seq.s32 s26, $0x0;
	[sflag:s13] =	ssyncset.done $0x0  }
0x91: {  	s0 =	sadd.s32 s26, s15;
	s3 =	simm.s32 @!p0 $0x7;
	[sflag:s13] =	ssyncadd.s32 $0xFFFFC000  }
0x92: {  	[hbm4b:s0+s4] =	stream.linear.scatter [tilespmem:s19], [sflag:$0x5], $0x4000, $0x38;
	[tilespmem:$0x10880] =	vst v63  }
0x93: {  	_ =	swait.ge @!p0 [sflag:s3], $0x4000  }
0x94: {  	[sflag:s3] =	ssyncset.done @!p0 $0x0  }
0x95: {  	[sflag:s3] =	ssyncadd.s32 @!p0 $0xFFFFC000  }
0x96: {  	v7 =	vld [tilespmem:s31+$0xFFFFFFF0];
	_ =	sdelay $0x4  }
0x97: {  	v8 =	vshll.u32 v7, $0x3  }
0x98: {  	v7 =	vand.u32 $0x7, v7;
	v8 =	vand.u32 $0xFFFFFFC0, v8  }
0x99: {  	v7 =	vor.u32 v7, v8  }
0x9a: {  	v8 =	vperm.xlane v7, v3;
	_ =	sdelay $0x1  }
0x9b: {  	v8 =	vadd.s32 v4, v8;
	_ =	sdelay $0x4  }
0x9c: {  	[tilespmem:s14], [sflag:$0x3] =	stream.indirect_vreg.gather [hbm4b:s1+s4], $0x80, v8, vm0, $0xb8;
	[tilespmem:$0x10880] =	vst v63  }
0x9d: {  	s3 =	simm.s32 $0x9080;
	v7 =	vperm.xlane v7, v5  }
0x9e: {  	[tilespmem:s3], [sflag:$0x3] =	stream.indirect_vreg.gather [hbm4b:s9+s4], $0x80, v8, vm0, $0xb8;
	[tilespmem:$0x10880] =	vst v63  }
0x9f: {  	v7 =	vadd.s32 v4, v7;
	s3 =	simm.s32 $0x9880  }
0xa0: {  	[tilespmem:s3], [sflag:$0x3] =	stream.indirect_vreg.gather [hbm4b:s10+s4], $0x80, v8, vm0, $0xb8;
	[tilespmem:$0x10880] =	vst v63  }
0xa1: {  	s3 =	simm.s32 $0xA080  }
0xa2: {  	[tilespmem:s3], [sflag:$0x3] =	stream.indirect_vreg.gather [hbm4b:s11+s4], $0x80, v8, vm0, $0xb8;
	[tilespmem:$0x10880] =	vst v63  }
0xa3: {  	s3 =	simm.s32 $0xA880  }
0xa4: {  	[tilespmem:s3], [sflag:$0x3] =	stream.indirect_vreg.gather [hbm4b:s1+s4], $0x80, v7, vm0, $0xb8;
	[tilespmem:$0x10880] =	vst v63  }
0xa5: {  	s3 =	simm.s32 $0xB080  }
0xa6: {  	[tilespmem:s3], [sflag:$0x3] =	stream.indirect_vreg.gather [hbm4b:s9+s4], $0x80, v7, vm0, $0xb8;
	[tilespmem:$0x10880] =	vst v63  }
0xa7: {  	s3 =	simm.s32 $0xB880  }
0xa8: {  	[tilespmem:s3], [sflag:$0x3] =	stream.indirect_vreg.gather [hbm4b:s10+s4], $0x80, v7, vm0, $0xb8;
	[tilespmem:$0x10880] =	vst v63  }
0xa9: {  	s3 =	simm.s32 $0xC080  }
0xaa: {  	[tilespmem:s3], [sflag:$0x3] =	stream.indirect_vreg.gather [hbm4b:s11+s4], $0x80, v7, vm0, $0xb8;
	[tilespmem:$0x10880] =	vst v63  }
0xab: {  	_ =	swait.ge [sflag:s29], $0x4000  }
0xac: {  	[sflag:s29] =	ssyncset.done $0x0  }
0xad: {  	s3 =	sadd.s32 $0x800, s0;
	[sflag:s29] =	ssyncadd.s32 $0xFFFFC000  }
0xae: {  	[hbm4b:s3+s4] =	stream.linear.scatter [tilespmem:s28], [sflag:$0x6], $0x4000, $0x38;
	[tilespmem:$0x10880] =	vst v63  }
0xaf: {  	s3 =	simm.s32 @!p0 $0x8  }
0xb0: {  	_ =	swait.ge @!p0 [sflag:s3], $0x4000  }
0xb1: {  	[sflag:s3] =	ssyncset.done @!p0 $0x0  }
0xb2: {  	[sflag:s3] =	ssyncadd.s32 @!p0 $0xFFFFC000  }
0xb3: {  	v7 =	vld [tilespmem:s31+$0x0];
	_ =	sdelay $0x4  }
0xb4: {  	v8 =	vshll.u32 v7, $0x3  }
0xb5: {  	v7 =	vand.u32 $0x7, v7;
	v8 =	vand.u32 $0xFFFFFFC0, v8  }
0xb6: {  	v7 =	vor.u32 v7, v8  }
0xb7: {  	v8 =	vperm.xlane v7, v3;
	_ =	sdelay $0x1  }
0xb8: {  	v8 =	vadd.s32 v4, v8;
	_ =	sdelay $0x4  }
0xb9: {  	[tilespmem:s30], [sflag:$0x4] =	stream.indirect_vreg.gather [hbm4b:s1+s4], $0x80, v8, vm0, $0xb8;
	[tilespmem:$0x10880] =	vst v63  }
0xba: {  	s3 =	simm.s32 $0xD080;
	v7 =	vperm.xlane v7, v5  }
0xbb: {  	[tilespmem:s3], [sflag:$0x4] =	stream.indirect_vreg.gather [hbm4b:s9+s4], $0x80, v8, vm0, $0xb8;
	[tilespmem:$0x10880] =	vst v63  }
0xbc: {  	v7 =	vadd.s32 v4, v7;
	s3 =	simm.s32 $0xD880  }
0xbd: {  	[tilespmem:s3], [sflag:$0x4] =	stream.indirect_vreg.gather [hbm4b:s10+s4], $0x80, v8, vm0, $0xb8;
	[tilespmem:$0x10880] =	vst v63  }
0xbe: {  	s3 =	simm.s32 $0xE080  }
0xbf: {  	[tilespmem:s3], [sflag:$0x4] =	stream.indirect_vreg.gather [hbm4b:s11+s4], $0x80, v8, vm0, $0xb8;
	[tilespmem:$0x10880] =	vst v63  }
0xc0: {  	s3 =	simm.s32 $0xE880  }
0xc1: {  	[tilespmem:s3], [sflag:$0x4] =	stream.indirect_vreg.gather [hbm4b:s1+s4], $0x80, v7, vm0, $0xb8;
	[tilespmem:$0x10880] =	vst v63  }
0xc2: {  	s3 =	simm.s32 $0xF080  }
0xc3: {  	[tilespmem:s3], [sflag:$0x4] =	stream.indirect_vreg.gather [hbm4b:s9+s4], $0x80, v7, vm0, $0xb8;
	[tilespmem:$0x10880] =	vst v63  }
0xc4: {  	_ = 	snop  }
0xc5: {  	[tilespmem:s20], [sflag:$0x4] =	stream.indirect_vreg.gather [hbm4b:s10+s4], $0x80, v7, vm0, $0xb8;
	[tilespmem:$0x10880] =	vst v63  }
0xc6: {  	p0 =	seq.s32 s26, $0x1E000  }
0xc7: {  	[tilespmem:s21], [sflag:$0x4] =	stream.indirect_vreg.gather [hbm4b:s11+s4], $0x80, v7, vm0, $0xb8;
	[tilespmem:$0x10880] =	vst v63  }
.Ltmp5:
0xc8: {  	_ = 	snop;
	(pc) =	sbr.rel @p0 .LBB2_10-.Ltmp5, $4  }
0xc9: {  	_ =	swait.ge [sflag:s22], $0x4000  }
0xca: {  	[sflag:s22] =	ssyncset.done $0x0  }
0xcb: {  	s3 =	sadd.s32 $0x1000, s0;
	[sflag:s22] =	ssyncadd.s32 $0xFFFFC000  }
0xcc: {  	[hbm4b:s3+s4] =	stream.linear.scatter [tilespmem:s14], [sflag:$0x7], $0x4000, $0x38;
	[tilespmem:$0x10880] =	vst v63  }
0xcd: {  	_ =	swait.ge [sflag:s24], $0x4000  }
0xce: {  	[sflag:s24] =	ssyncset.done $0x0  }
0xcf: {  	[sflag:s24] =	ssyncadd.s32 $0xFFFFC000  }
0xd0: {  	v7 =	vld [tilespmem:s31+$0x10];
	_ =	sdelay $0x4  }
0xd1: {  	v8 =	vshll.u32 v7, $0x3  }
0xd2: {  	v7 =	vand.u32 $0x7, v7;
	v8 =	vand.u32 $0xFFFFFFC0, v8  }
0xd3: {  	v7 =	vor.u32 v7, v8  }
0xd4: {  	v8 =	vperm.xlane v7, v3;
	_ =	sdelay $0x1  }
0xd5: {  	v8 =	vadd.s32 v4, v8;
	_ =	sdelay $0x4  }
0xd6: {  	[tilespmem:s19], [sflag:$0x1] =	stream.indirect_vreg.gather [hbm4b:s1+s4], $0x80, v8, vm0, $0xb8;
	[tilespmem:$0x10880] =	vst v63  }
0xd7: {  	v7 =	vperm.xlane v7, v5  }
0xd8: {  	[tilespmem:s6], [sflag:$0x1] =	stream.indirect_vreg.gather [hbm4b:s9+s4], $0x80, v8, vm0, $0xb8;
	[tilespmem:$0x10880] =	vst v63  }
0xd9: {  	v7 =	vadd.s32 v4, v7  }
0xda: {  	[tilespmem:s12], [sflag:$0x1] =	stream.indirect_vreg.gather [hbm4b:s10+s4], $0x80, v8, vm0, $0xb8;
	[tilespmem:$0x10880] =	vst v63  }
0xdb: {  	s3 =	simm.s32 $0x2080  }
0xdc: {  	[tilespmem:s3], [sflag:$0x1] =	stream.indirect_vreg.gather [hbm4b:s11+s4], $0x80, v8, vm0, $0xb8;
	[tilespmem:$0x10880] =	vst v63  }
0xdd: {  	s3 =	simm.s32 $0x2880  }
0xde: {  	[tilespmem:s3], [sflag:$0x1] =	stream.indirect_vreg.gather [hbm4b:s1+s4], $0x80, v7, vm0, $0xb8;
	[tilespmem:$0x10880] =	vst v63  }
0xdf: {  	s3 =	simm.s32 $0x3080  }
0xe0: {  	[tilespmem:s3], [sflag:$0x1] =	stream.indirect_vreg.gather [hbm4b:s9+s4], $0x80, v7, vm0, $0xb8;
	[tilespmem:$0x10880] =	vst v63  }
0xe1: {  	s3 =	simm.s32 $0x3880  }
0xe2: {  	[tilespmem:s3], [sflag:$0x1] =	stream.indirect_vreg.gather [hbm4b:s10+s4], $0x80, v7, vm0, $0xb8;
	[tilespmem:$0x10880] =	vst v63  }
0xe3: {  	s3 =	simm.s32 $0x4080  }
0xe4: {  	[tilespmem:s3], [sflag:$0x1] =	stream.indirect_vreg.gather [hbm4b:s11+s4], $0x80, v7, vm0, $0xb8;
	[tilespmem:$0x10880] =	vst v63  }
0xe5: {  	_ =	swait.ge [sflag:s23], $0x4000  }
0xe6: {  	[sflag:s23] =	ssyncset.done $0x0  }
0xe7: {  	s0 =	sadd.s32 $0x1800, s0;
	[sflag:s23] =	ssyncadd.s32 $0xFFFFC000  }
0xe8: {  	[hbm4b:s0+s4] =	stream.linear.scatter [tilespmem:s30], [sflag:$0x8], $0x4000, $0x38;
	[tilespmem:$0x10880] =	vst v63  }
0xe9: {  	_ =	swait.ge [sflag:s25], $0x4000  }
0xea: {  	[sflag:s25] =	ssyncset.done $0x0  }
0xeb: {  	[sflag:s25] =	ssyncadd.s32 $0xFFFFC000  }
0xec: {  	v7 =	vld [tilespmem:s31+$0x20];
	_ =	sdelay $0x4  }
0xed: {  	v8 =	vshll.u32 v7, $0x3  }
0xee: {  	v7 =	vand.u32 $0x7, v7;
	v8 =	vand.u32 $0xFFFFFFC0, v8  }
0xef: {  	v7 =	vor.u32 v7, v8  }
0xf0: {  	v8 =	vperm.xlane v7, v3;
	_ =	sdelay $0x1  }
0xf1: {  	v8 =	vadd.s32 v4, v8;
	_ =	sdelay $0x4  }
0xf2: {  	[tilespmem:s28], [sflag:$0x2] =	stream.indirect_vreg.gather [hbm4b:s1+s4], $0x80, v8, vm0, $0xb8;
	[tilespmem:$0x10880] =	vst v63  }
0xf3: {  	s3 =	simm.s32 $0x5080;
	v7 =	vperm.xlane v7, v5  }
0xf4: {  	[tilespmem:s3], [sflag:$0x2] =	stream.indirect_vreg.gather [hbm4b:s9+s4], $0x80, v8, vm0, $0xb8;
	[tilespmem:$0x10880] =	vst v63  }
0xf5: {  	v7 =	vadd.s32 v4, v7;
	s3 =	simm.s32 $0x5880  }
0xf6: {  	[tilespmem:s3], [sflag:$0x2] =	stream.indirect_vreg.gather [hbm4b:s10+s4], $0x80, v8, vm0, $0xb8;
	[tilespmem:$0x10880] =	vst v63  }
0xf7: {  	s3 =	simm.s32 $0x6080  }
0xf8: {  	[tilespmem:s3], [sflag:$0x2] =	stream.indirect_vreg.gather [hbm4b:s11+s4], $0x80, v8, vm0, $0xb8;
	[tilespmem:$0x10880] =	vst v63  }
0xf9: {  	s3 =	simm.s32 $0x6880  }
0xfa: {  	[tilespmem:s3], [sflag:$0x2] =	stream.indirect_vreg.gather [hbm4b:s1+s4], $0x80, v7, vm0, $0xb8;
	[tilespmem:$0x10880] =	vst v63  }
0xfb: {  	s3 =	simm.s32 $0x7080  }
0xfc: {  	[tilespmem:s3], [sflag:$0x2] =	stream.indirect_vreg.gather [hbm4b:s9+s4], $0x80, v7, vm0, $0xb8;
	[tilespmem:$0x10880] =	vst v63  }
.Ltmp6:
0xfd: {  	_ = 	snop;
	(pc) =	sbr.rel .LBB2_8-.Ltmp6, $4  }
0xfe: {  	s3 =	simm.s32 $0x7880  }
0xff: {  	[tilespmem:s3], [sflag:$0x2] =	stream.indirect_vreg.gather [hbm4b:s10+s4], $0x80, v7, vm0, $0xb8;
	[tilespmem:$0x10880] =	vst v63  }
0x100: {  	s26 =	sadd.s32 $0x2000, s26;
	s31 =	sadd.s32 $0x40, s31;
	s3 =	simm.s32 $0x8080  }
0x101: {  	[tilespmem:s3], [sflag:$0x2] =	stream.indirect_vreg.gather [hbm4b:s11+s4], $0x80, v7, vm0, $0xb8;
	[tilespmem:$0x10880] =	vst v63  }
.LBB2_11:
0x102: {  	_ =	sfence.sel $0x180000  }
0x103: {  	[bflag:$0x0] =	sbarrier.arrive $0xFFFF  }
0x104: {  	_ =	strace $0x90000047  }
0x105: {  	s0 =	stileid.u32;
	[bflag:$0x2] =	sbarrier.arrive $0xFFFF  }
0x106: {  	p0 =	sne.s32 s0, $0x0;
	s0 =	rddreg [dreg:$0x3]  }
0x107: {  	s0 =	sadd.s32 @!p0 $0x100000, s0  }
0x108: {  	[sflag:s0] =	ssyncadd.tile.s32 @!p0 $0x1;
	_ =	shalt  }
.Lfunc_end2:
_tile_overlayer_lowered:
.L_overlay_start_2:
0x109: {  	(tag) =	ssettag $0x2  }
0x10a: {  	s0 =	rddreg [dreg:$0x0];
	s2 =	stileid.u32  }
0x10b: {  	s1 =	rddreg [dreg:$0x1];
	p0 =	sne.s32 s2, $0x0  }
0x10c: {  	s3 =	rddreg [dreg:$0x2];
	[bflag:$0x3] =	sbarrier.arrive $0xFFFF;
	s2 =	simm.s32 @!p0 $0x1C0A  }
0x10d: {  	[timem:s3], [sflag:s2] =	dma.local @!p0 [hbm:s0], s1  }
0x10e: {  	s0 =	simm.s32 @!p0 $0xA  }
0x10f: {  	_ =	swait.ge @!p0 [sflag:s0], s1  }
0x110: {  	s1 =	ssub.s32 @!p0 $0x0, s1;
	[sflag:s0] =	ssyncset.done @!p0 $0x0  }
0x111: {  	[sflag:s0] =	ssyncadd.s32 @!p0 s1  }
0x112: {  	[bflag:$0x3] =	sbarrier.arrive $0xFFFF  }
0x113: {  	_ =	shalt  }

</sc_bundles>
